<compile_context>
chip_gen: v7x
topology: tpu7x:2x2x1
jax: 0.10.2.dev20260603
libtpu: 0.0.44.dev20260713+nightly
codegen_flags: <defaults>
</compile_context>

<pallas_src>
import functools

import jax
import jax.numpy as jnp
from jax import lax
from jax.experimental import pallas as pl
from jax.experimental.pallas import tpu as pltpu
from jax.experimental.pallas import tpu_sc as plsc

_NC = 2
_NS = 16
_CHUNK = 128


def _sc_mesh():
  return plsc.VectorSubcoreMesh(
      core_axis_name="c", subcore_axis_name="s", num_cores=_NC,
      num_subcores=_NS)


def _make_sc_s_pass(npad, d, cpt):
  rows_per_tile = npad // _NS
  zc = rows_per_tile // _CHUNK

  def body(h_hbm, src_hbm, dst_hbm, zrows_hbm, s_out,
           s_sh, src_v, dst_v, rows_v, sem):
    cid = lax.axis_index("c")
    sid = lax.axis_index("s")
    wid = cid * _NS + sid
    row0 = sid * rows_per_tile
    for k in range(zc):
      pltpu.sync_copy(zrows_hbm, s_sh.at[pl.ds(row0 + k * _CHUNK, _CHUNK)])
    plsc.subcore_barrier()

    def step(j, carry):
      base = (wid * cpt + j) * _CHUNK
      pltpu.sync_copy(src_hbm.at[pl.ds(base, _CHUNK)], src_v)
      pltpu.sync_copy(dst_hbm.at[pl.ds(base, _CHUNK)], dst_v)
      pltpu.async_copy(h_hbm.at[src_v], rows_v, sem).wait()
      pltpu.sync_copy(rows_v, s_sh.at[dst_v], add=True)
      return carry

    lax.fori_loop(0, cpt, step, 0)
    plsc.subcore_barrier()
    for k in range(zc):
      r = row0 + k * _CHUNK
      pltpu.sync_copy(s_sh.at[pl.ds(r, _CHUNK)],
                      s_out.at[cid, pl.ds(r, _CHUNK)])

  return pl.kernel(
      body,
      out_type=jax.ShapeDtypeStruct((_NC, npad, d), jnp.float32),
      mesh=_sc_mesh(),
      scratch_types=[
          pltpu.VMEM_SHARED((npad, d), jnp.float32),
          pltpu.VMEM((_CHUNK,), jnp.int32),
          pltpu.VMEM((_CHUNK,), jnp.int32),
          pltpu.VMEM((_CHUNK, d), jnp.float32),
          pltpu.SemaphoreType.DMA,
      ])


def _make_sc_aux_pass(npad, aw, cpt):
  rows_per_tile = npad // _NS
  zc = rows_per_tile // _CHUNK

  def body(heaug_hbm, dst_hbm, zaux_hbm, aux_out,
           aux_sh, dst_v, he_v):
    cid = lax.axis_index("c")
    sid = lax.axis_index("s")
    wid = cid * _NS + sid
    row0 = sid * rows_per_tile
    for k in range(zc):
      pltpu.sync_copy(zaux_hbm, aux_sh.at[pl.ds(row0 + k * _CHUNK, _CHUNK)])
    plsc.subcore_barrier()

    def step(j, carry):
      base = (wid * cpt + j) * _CHUNK
      pltpu.sync_copy(dst_hbm.at[pl.ds(base, _CHUNK)], dst_v)
      pltpu.sync_copy(heaug_hbm.at[pl.ds(base, _CHUNK)], he_v)
      pltpu.sync_copy(he_v, aux_sh.at[dst_v], add=True)
      return carry

    lax.fori_loop(0, cpt, step, 0)
    plsc.subcore_barrier()
    for k in range(zc):
      r = row0 + k * _CHUNK
      pltpu.sync_copy(aux_sh.at[pl.ds(r, _CHUNK)],
                      aux_out.at[cid, pl.ds(r, _CHUNK)])

  return pl.kernel(
      body,
      out_type=jax.ShapeDtypeStruct((_NC, npad, aw), jnp.float32),
      mesh=_sc_mesh(),
      scratch_types=[
          pltpu.VMEM_SHARED((npad, aw), jnp.float32),
          pltpu.VMEM((_CHUNK,), jnp.int32),
          pltpu.VMEM((_CHUNK, aw), jnp.float32),
      ])


def _r32(x):
  return x.astype(jnp.bfloat16).astype(jnp.float32)


def _rne(x):
  u = jax.lax.bitcast_convert_type(x, jnp.uint32)
  lsb = jax.lax.shift_right_logical(u, jnp.uint32(16)) & jnp.uint32(1)
  r = (u + jnp.uint32(0x7FFF) + lsb) & jnp.uint32(0xFFFF0000)
  return jax.lax.bitcast_convert_type(r, jnp.float32)


def _bdot(x, y):
  return jax.lax.dot(x.astype(jnp.bfloat16), y.astype(jnp.bfloat16),
                     preferred_element_type=jnp.float32)


def _fdot(x, y):
  return jax.lax.dot(x, y, preferred_element_type=jnp.float32)


def _split_dot(x, y_r):
  x1 = _rne(x)
  x2 = _rne(x - x1)
  x3 = _rne(x - x1 - x2)
  return _bdot(x1, y_r) + _bdot(x2, y_r) + _bdot(x3, y_r)


def _hwq(x, bn):
  n, d = x.shape

  def body(x_ref, eye_ref, o_ref):
    o_ref[...] = _fdot(x_ref[...], eye_ref[...])

  return pl.pallas_call(
      body,
      grid=(n // bn,),
      in_specs=[pl.BlockSpec((bn, d), lambda i: (i, 0)),
                pl.BlockSpec((d, d), lambda i: (0, 0))],
      out_specs=pl.BlockSpec((bn, d), lambda i: (i, 0)),
      out_shape=jax.ShapeDtypeStruct((n, d), jnp.float32),
  )(x, jnp.eye(d, dtype=jnp.float32))


def _tc_round(h, s0, s1, a0, a1, wsrc_t, wdst_t, whe_t, bm_t,
              wih_t, whh_t, bih_t, bhh_t, bn):
  n, d = h.shape
  ed = whe_t.shape[0]
  g3 = wih_t.shape[1]

  def body(h_ref, s0_ref, s1_ref, a0_ref, a1_ref, wsrc_ref, wdst_ref,
           whe_ref, bm_ref, wih_ref, whh_ref, bih_ref, bhh_ref, out_ref):
    hb = h_ref[...]
    s = s0_ref[...] + s1_ref[...]
    aux = a0_ref[...] + a1_ref[...]
    hesum = aux[:, :ed]
    deg = aux[:, ed:ed + 1]
    a = (_split_dot(s, wsrc_ref[...]) + deg * _fdot(hb, wdst_ref[...])
         + _split_dot(hesum, whe_ref[...]) + deg * bm_ref[...])
    gi = _fdot(a, wih_ref[...]) + bih_ref[...]
    gh = _fdot(hb, whh_ref[...]) + bhh_ref[...]
    r = jax.nn.sigmoid(gi[:, :d] + gh[:, :d])
    z = jax.nn.sigmoid(gi[:, d:2 * d] + gh[:, d:2 * d])
    nn = jnp.tanh(gi[:, 2 * d:] + r * gh[:, 2 * d:])
    out_ref[...] = (1.0 - z) * nn + z * hb

  grid = (n // bn,)
  row_spec = lambda w: pl.BlockSpec((bn, w), lambda i: (i, 0))
  full = lambda shp: pl.BlockSpec(shp, lambda i: (0,) * len(shp))
  return pl.pallas_call(
      body,
      grid=grid,
      in_specs=[row_spec(d), row_spec(d), row_spec(d),
                row_spec(a0.shape[1]), row_spec(a1.shape[1]),
                full((d, d)), full((d, d)), full((ed, d)), full((1, d)),
                full((d, g3)), full((d, g3)), full((1, g3)), full((1, g3))],
      out_specs=row_spec(d),
      out_shape=jax.ShapeDtypeStruct((n, d), jnp.float32),
  )(h, s0, s1, a0, a1, wsrc_t, wdst_t, whe_t, bm_t, wih_t, whh_t,
    bih_t, bhh_t)


def kernel(hv, edge_index, he, Wm, bm, Wih, Whh, bih, bhh):
  n, d = hv.shape
  e = edge_index.shape[1]
  ed = he.shape[1]
  rounds = Wm.shape[0]
  aw = 128

  npad = -(-n // (_NS * _CHUNK)) * (_NS * _CHUNK)
  cpt = -(-e // (_CHUNK * _NC * _NS))
  epad = cpt * _CHUNK * _NC * _NS

  src = edge_index[0].astype(jnp.int32)
  dst = edge_index[1].astype(jnp.int32)
  pad = epad - e
  srcp = jnp.concatenate([src, jnp.zeros((pad,), jnp.int32)])
  dstp = jnp.concatenate([dst, jnp.full((pad,), n, jnp.int32)])
  heaug = _hwq(jnp.concatenate(
      [he, jnp.ones((e, 1), he.dtype),
       jnp.zeros((e, aw - ed - 1), he.dtype)],
      axis=1), bn=1000)
  heaugp = jnp.concatenate([heaug, jnp.zeros((pad, aw), he.dtype)], axis=0)
  zrows = jnp.zeros((_CHUNK, d), jnp.float32)
  zaux = jnp.zeros((_CHUNK, aw), jnp.float32)

  sc_s = _make_sc_s_pass(npad, d, cpt)
  sc_aux = _make_sc_aux_pass(npad, aw, cpt)

  aux_parts = sc_aux(heaugp, dstp, zaux)
  a0, a1 = aux_parts[0, :n], aux_parts[1, :n]
  h = hv
  for t in range(rounds):
    s_parts = sc_s(_hwq(h, bn=1000), srcp, dstp, zrows)
    s0, s1 = s_parts[0, :n], s_parts[1, :n]
    wq = _hwq(Wm[t].T, bn=Wm[t].shape[1])
    wsrc_t = wq[:d]
    wdst_t = Wm[t, :, d:2 * d].T
    whe_t = wq[2 * d:]
    h = _tc_round(h, s0, s1, a0, a1, wsrc_t, wdst_t, whe_t,
                  bm[t].reshape(1, -1), Wih[t].T, Whh[t].T,
                  bih[t].reshape(1, -1), bhh[t].reshape(1, -1), bn=1000)
  return h

# --- scband reference (transcript-rebuilt; emitter-appended) ---
"""Pipeline reference for scband-graph-prop-12146167513751 (READ-ONLY COPY).

The authoritative reference and input builder live on the scoring server;
editing this copy changes nothing except your own understanding.
"""

import jax, jax.numpy as jnp
import numpy as np

N = 10000
E = 320000
D = 128   # node_dim
ED = 16   # edge_dim
A = 128   # node_act_dim
R = 2     # rounds


def setup_inputs(seed: int = 0) -> dict:
    key = jax.random.key(seed)
    ks = jax.random.split(key, 10)
    hv = jax.random.normal(ks[0], (N, D), dtype=jnp.float32)
    edge_index = jax.random.randint(ks[1], (2, E), 0, N, dtype=jnp.int64) if jax.config.jax_enable_x64 else jax.random.randint(ks[1], (2, E), 0, N).astype(jnp.int32)
    he = jax.random.normal(ks[2], (E, ED), dtype=jnp.float32)
    # learned parameters, stacked over rounds
    msg_in = 2 * D + ED
    Wm = jax.random.normal(ks[3], (R, A, msg_in), dtype=jnp.float32) * (1.0 / np.sqrt(msg_in))
    bm = jnp.zeros((R, A), dtype=jnp.float32)
    Wih = jax.random.normal(ks[4], (R, 3 * D, A), dtype=jnp.float32) * (1.0 / np.sqrt(A))
    Whh = jax.random.normal(ks[5], (R, 3 * D, D), dtype=jnp.float32) * (1.0 / np.sqrt(D))
    bih = jnp.zeros((R, 3 * D), dtype=jnp.float32)
    bhh = jnp.zeros((R, 3 * D), dtype=jnp.float32)
    return {"hv": hv, "edge_index": edge_index, "he": he,
            "Wm": Wm, "bm": bm, "Wih": Wih, "Whh": Whh, "bih": bih, "bhh": bhh}


def _gru_cell(x, h, W_ih, W_hh, b_ih, b_hh):
    # Faithful to torch.nn.GRUCell (gate order: r, z, n)
    gi = x @ W_ih.T + b_ih
    gh = h @ W_hh.T + b_hh
    i_r, i_z, i_n = jnp.split(gi, 3, axis=1)
    h_r, h_z, h_n = jnp.split(gh, 3, axis=1)
    r = jax.nn.sigmoid(i_r + h_r)
    z = jax.nn.sigmoid(i_z + h_z)
    n = jnp.tanh(i_n + r * h_n)
    return (1.0 - z) * n + z * h


def reference(hv, edge_index, he, Wm, bm, Wih, Whh, bih, bhh):
    src = edge_index[0]
    dst = edge_index[1]
    h = hv
    rounds = Wm.shape[0]
    for t in range(rounds):
        # dgmg_msg: m = cat([src hv, dst hv, he]) per edge  (gather)
        m = jnp.concatenate([h[src], h[dst], he], axis=1)
        # message_funcs[t]: Linear applied per message, then summed per dst node
        act = m @ Wm[t].T + bm[t]
        # dgmg_reduce: sum of inbound messages per node (scatter-add)
        a = jax.ops.segment_sum(act, dst, num_segments=N)
        # node_update_funcs[t]: GRUCell(a, hv)
        h = _gru_cell(a, h, Wih[t], Whh[t], bih[t], bhh[t])
    return h


if False:  # reference __main__ guard neutralized (emitter)
    inp = setup_inputs()
    out = reference(**inp)
    print(out.shape, out.dtype)

if __name__ == "__main__":
    import jax
    _d = setup_inputs()
    print(jax.jit(kernel)(*tuple(_d.values())))

</pallas_src>

<mosaic_0001>
#map = affine_map<(d0, d1) -> (0, 0)>
#map1 = affine_map<(d0, d1) -> (0)>
#map2 = affine_map<(d0, d1) -> (0, 0, 0)>
module attributes {stable_mosaic.version = 14 : i64} {
  func.func @body(%arg0: i32, %arg1: i32, %arg2: memref<10000x128xf32, #tpu.memory_space<hbm>>, %arg3: memref<323584xi32, #tpu.memory_space<hbm>>, %arg4: memref<323584xi32, #tpu.memory_space<hbm>>, %arg5: memref<128x128xf32, #tpu.memory_space<hbm>>, %arg6: memref<2x10240x128xf32, #tpu.memory_space<hbm>>, %arg7: memref<10240x128xf32, #tpu.memory_space<vmem_shared>>, %arg8: memref<128xi32, #tpu.memory_space<vmem>>, %arg9: memref<128xi32, #tpu.memory_space<vmem>>, %arg10: memref<128x128xf32, #tpu.memory_space<vmem>>, %arg11: memref<!tpu.dma_semaphore, #tpu.memory_space<semaphore_mem>>) attributes {dimension_semantics = [#tpu.dimension_semantics<core_parallel>, #tpu.dimension_semantics<subcore_parallel>], iteration_bounds = array<i64: 2, 16>, scalar_prefetch = 0 : i64, scratch_operands = 5 : i64, tpu.core_type = #tpu.core_type<sc_vector_subcore>, window_params = [{transform_indices = #map}, {transform_indices = #map1}, {transform_indices = #map1}, {transform_indices = #map}, {transform_indices = #map2}]} {
    %mul3A = arith.constant 16 : i32
    %mul3A_0 = arith.muli %arg0, %mul3A : i32
    %add3A = arith.addi %mul3A_0, %arg1 : i32
    %mul3A_1 = arith.constant 640 : i32
    %mul3A_2 = arith.muli %arg1, %mul3A_1 : i32
    %add3A_3 = arith.constant 0 : i32
    %add3A_4 = arith.addi %mul3A_2, %add3A_3 : i32
    "tpu.region"() ({
      %run_scoped3A = tpu.sem_alloc : memref<!tpu.dma_semaphore, #tpu.memory_space<semaphore_mem>>
      %dma_start3A = arith.constant 0 : i32
      %dma_start3A_29 = tpu.memref_slice %arg7[%add3A_4, %dma_start3A] : memref<10240x128xf32, #tpu.memory_space<vmem_shared>> -> memref<128x128xf32, #tpu.memory_space<vmem_shared>>
      tpu.enqueue_dma source(%arg5 : memref<128x128xf32, #tpu.memory_space<hbm>>) target(%dma_start3A_29 : memref<128x128xf32, #tpu.memory_space<vmem_shared>>) target_semaphore(%run_scoped3A : memref<!tpu.dma_semaphore, #tpu.memory_space<semaphore_mem>>)
      %dma_wait3A = arith.constant 0 : i32
      %dma_wait3A_30 = tpu.memref_slice %arg7[%add3A_4, %dma_wait3A] : memref<10240x128xf32, #tpu.memory_space<vmem_shared>> -> memref<128x128xf32, #tpu.memory_space<vmem_shared>>
      tpu.wait_dma2 semaphore(%run_scoped3A : memref<!tpu.dma_semaphore, #tpu.memory_space<semaphore_mem>>) src(%arg5 : memref<128x128xf32, #tpu.memory_space<hbm>>) dst(%dma_wait3A_30 : memref<128x128xf32, #tpu.memory_space<vmem_shared>>)
      tpu.yield
    }) : () -> ()
    %add3A_5 = arith.constant 128 : i32
    %add3A_6 = arith.addi %mul3A_2, %add3A_5 : i32
    "tpu.region"() ({
      %run_scoped3A = tpu.sem_alloc : memref<!tpu.dma_semaphore, #tpu.memory_space<semaphore_mem>>
      %dma_start3A = arith.constant 0 : i32
      %dma_start3A_29 = tpu.memref_slice %arg7[%add3A_6, %dma_start3A] : memref<10240x128xf32, #tpu.memory_space<vmem_shared>> -> memref<128x128xf32, #tpu.memory_space<vmem_shared>>
      tpu.enqueue_dma source(%arg5 : memref<128x128xf32, #tpu.memory_space<hbm>>) target(%dma_start3A_29 : memref<128x128xf32, #tpu.memory_space<vmem_shared>>) target_semaphore(%run_scoped3A : memref<!tpu.dma_semaphore, #tpu.memory_space<semaphore_mem>>)
      %dma_wait3A = arith.constant 0 : i32
      %dma_wait3A_30 = tpu.memref_slice %arg7[%add3A_6, %dma_wait3A] : memref<10240x128xf32, #tpu.memory_space<vmem_shared>> -> memref<128x128xf32, #tpu.memory_space<vmem_shared>>
      tpu.wait_dma2 semaphore(%run_scoped3A : memref<!tpu.dma_semaphore, #tpu.memory_space<semaphore_mem>>) src(%arg5 : memref<128x128xf32, #tpu.memory_space<hbm>>) dst(%dma_wait3A_30 : memref<128x128xf32, #tpu.memory_space<vmem_shared>>)
      tpu.yield
    }) : () -> ()
    %add3A_7 = arith.constant 256 : i32
    %add3A_8 = arith.addi %mul3A_2, %add3A_7 : i32
    "tpu.region"() ({
      %run_scoped3A = tpu.sem_alloc : memref<!tpu.dma_semaphore, #tpu.memory_space<semaphore_mem>>
      %dma_start3A = arith.constant 0 : i32
      %dma_start3A_29 = tpu.memref_slice %arg7[%add3A_8, %dma_start3A] : memref<10240x128xf32, #tpu.memory_space<vmem_shared>> -> memref<128x128xf32, #tpu.memory_space<vmem_shared>>
      tpu.enqueue_dma source(%arg5 : memref<128x128xf32, #tpu.memory_space<hbm>>) target(%dma_start3A_29 : memref<128x128xf32, #tpu.memory_space<vmem_shared>>) target_semaphore(%run_scoped3A : memref<!tpu.dma_semaphore, #tpu.memory_space<semaphore_mem>>)
      %dma_wait3A = arith.constant 0 : i32
      %dma_wait3A_30 = tpu.memref_slice %arg7[%add3A_8, %dma_wait3A] : memref<10240x128xf32, #tpu.memory_space<vmem_shared>> -> memref<128x128xf32, #tpu.memory_space<vmem_shared>>
      tpu.wait_dma2 semaphore(%run_scoped3A : memref<!tpu.dma_semaphore, #tpu.memory_space<semaphore_mem>>) src(%arg5 : memref<128x128xf32, #tpu.memory_space<hbm>>) dst(%dma_wait3A_30 : memref<128x128xf32, #tpu.memory_space<vmem_shared>>)
      tpu.yield
    }) : () -> ()
    %add3A_9 = arith.constant 384 : i32
    %add3A_10 = arith.addi %mul3A_2, %add3A_9 : i32
    "tpu.region"() ({
      %run_scoped3A = tpu.sem_alloc : memref<!tpu.dma_semaphore, #tpu.memory_space<semaphore_mem>>
      %dma_start3A = arith.constant 0 : i32
      %dma_start3A_29 = tpu.memref_slice %arg7[%add3A_10, %dma_start3A] : memref<10240x128xf32, #tpu.memory_space<vmem_shared>> -> memref<128x128xf32, #tpu.memory_space<vmem_shared>>
      tpu.enqueue_dma source(%arg5 : memref<128x128xf32, #tpu.memory_space<hbm>>) target(%dma_start3A_29 : memref<128x128xf32, #tpu.memory_space<vmem_shared>>) target_semaphore(%run_scoped3A : memref<!tpu.dma_semaphore, #tpu.memory_space<semaphore_mem>>)
      %dma_wait3A = arith.constant 0 : i32
      %dma_wait3A_30 = tpu.memref_slice %arg7[%add3A_10, %dma_wait3A] : memref<10240x128xf32, #tpu.memory_space<vmem_shared>> -> memref<128x128xf32, #tpu.memory_space<vmem_shared>>
      tpu.wait_dma2 semaphore(%run_scoped3A : memref<!tpu.dma_semaphore, #tpu.memory_space<semaphore_mem>>) src(%arg5 : memref<128x128xf32, #tpu.memory_space<hbm>>) dst(%dma_wait3A_30 : memref<128x128xf32, #tpu.memory_space<vmem_shared>>)
      tpu.yield
    }) : () -> ()
    %add3A_11 = arith.constant 512 : i32
    %add3A_12 = arith.addi %mul3A_2, %add3A_11 : i32
    "tpu.region"() ({
      %run_scoped3A = tpu.sem_alloc : memref<!tpu.dma_semaphore, #tpu.memory_space<semaphore_mem>>
      %dma_start3A = arith.constant 0 : i32
      %dma_start3A_29 = tpu.memref_slice %arg7[%add3A_12, %dma_start3A] : memref<10240x128xf32, #tpu.memory_space<vmem_shared>> -> memref<128x128xf32, #tpu.memory_space<vmem_shared>>
      tpu.enqueue_dma source(%arg5 : memref<128x128xf32, #tpu.memory_space<hbm>>) target(%dma_start3A_29 : memref<128x128xf32, #tpu.memory_space<vmem_shared>>) target_semaphore(%run_scoped3A : memref<!tpu.dma_semaphore, #tpu.memory_space<semaphore_mem>>)
      %dma_wait3A = arith.constant 0 : i32
      %dma_wait3A_30 = tpu.memref_slice %arg7[%add3A_12, %dma_wait3A] : memref<10240x128xf32, #tpu.memory_space<vmem_shared>> -> memref<128x128xf32, #tpu.memory_space<vmem_shared>>
      tpu.wait_dma2 semaphore(%run_scoped3A : memref<!tpu.dma_semaphore, #tpu.memory_space<semaphore_mem>>) src(%arg5 : memref<128x128xf32, #tpu.memory_space<hbm>>) dst(%dma_wait3A_30 : memref<128x128xf32, #tpu.memory_space<vmem_shared>>)
      tpu.yield
    }) : () -> ()
    %barrier3A = arith.constant 0 : index
    tpu.barrier barrier_id(%barrier3A)
    %scan3A = arith.constant 0 : i32
    %scan3A_13 = arith.constant 0 : i32
    %scan3A_14 = arith.constant 79 : i32
    %scan3A_15 = arith.addi %scan3A_13, %scan3A_14 : i32
    %scan3A_16 = arith.constant 1 : i32
    scf.for %scan3A_29 = %scan3A_13 to %scan3A_15 step %scan3A_16  : i32 {
      %mul3A_30 = arith.constant 79 : i32
      %mul3A_31 = arith.muli %add3A, %mul3A_30 : i32
      %add3A_32 = arith.addi %mul3A_31, %scan3A_29 : i32
      %mul3A_33 = arith.constant 128 : i32
      %mul3A_34 = arith.muli %add3A_32, %mul3A_33 : i32
      "tpu.region"() ({
        %run_scoped3A = tpu.sem_alloc : memref<!tpu.dma_semaphore, #tpu.memory_space<semaphore_mem>>
        %dma_start3A_39 = tpu.memref_slice %arg3[%mul3A_34] : memref<323584xi32, #tpu.memory_space<hbm>> -> memref<128xi32, #tpu.memory_space<hbm>>
        %dma_start3A_40 = tpu.memref_slice %arg3[%mul3A_34] : memref<323584xi32, #tpu.memory_space<hbm>> -> memref<128xi32, #tpu.memory_space<hbm>>
        tpu.enqueue_dma source(%dma_start3A_40 : memref<128xi32, #tpu.memory_space<hbm>>) target(%arg8 : memref<128xi32, #tpu.memory_space<vmem>>) target_semaphore(%run_scoped3A : memref<!tpu.dma_semaphore, #tpu.memory_space<semaphore_mem>>)
        %dma_wait3A_41 = tpu.memref_slice %arg3[%mul3A_34] : memref<323584xi32, #tpu.memory_space<hbm>> -> memref<128xi32, #tpu.memory_space<hbm>>
        %dma_wait3A_42 = tpu.memref_slice %arg3[%mul3A_34] : memref<323584xi32, #tpu.memory_space<hbm>> -> memref<128xi32, #tpu.memory_space<hbm>>
        tpu.wait_dma2 semaphore(%run_scoped3A : memref<!tpu.dma_semaphore, #tpu.memory_space<semaphore_mem>>) src(%dma_wait3A_42 : memref<128xi32, #tpu.memory_space<hbm>>) dst(%arg8 : memref<128xi32, #tpu.memory_space<vmem>>)
        tpu.yield
      }) : () -> ()
      "tpu.region"() ({
        %run_scoped3A = tpu.sem_alloc : memref<!tpu.dma_semaphore, #tpu.memory_space<semaphore_mem>>
        %dma_start3A_39 = tpu.memref_slice %arg4[%mul3A_34] : memref<323584xi32, #tpu.memory_space<hbm>> -> memref<128xi32, #tpu.memory_space<hbm>>
        %dma_start3A_40 = tpu.memref_slice %arg4[%mul3A_34] : memref<323584xi32, #tpu.memory_space<hbm>> -> memref<128xi32, #tpu.memory_space<hbm>>
        tpu.enqueue_dma source(%dma_start3A_40 : memref<128xi32, #tpu.memory_space<hbm>>) target(%arg9 : memref<128xi32, #tpu.memory_space<vmem>>) target_semaphore(%run_scoped3A : memref<!tpu.dma_semaphore, #tpu.memory_space<semaphore_mem>>)
        %dma_wait3A_41 = tpu.memref_slice %arg4[%mul3A_34] : memref<323584xi32, #tpu.memory_space<hbm>> -> memref<128xi32, #tpu.memory_space<hbm>>
        %dma_wait3A_42 = tpu.memref_slice %arg4[%mul3A_34] : memref<323584xi32, #tpu.memory_space<hbm>> -> memref<128xi32, #tpu.memory_space<hbm>>
        tpu.wait_dma2 semaphore(%run_scoped3A : memref<!tpu.dma_semaphore, #tpu.memory_space<semaphore_mem>>) src(%dma_wait3A_42 : memref<128xi32, #tpu.memory_space<hbm>>) dst(%arg9 : memref<128xi32, #tpu.memory_space<vmem>>)
        tpu.yield
      }) : () -> ()
      %dma_start3A = arith.constant 0 : i32
      %dma_start3A_35 = arith.constant 0 : i32
      %dma_start3A_36 = tpu.memref_slice %arg2[%dma_start3A, %dma_start3A_35] : memref<10000x128xf32, #tpu.memory_space<hbm>> -> memref<10000x128xf32, #tpu.memory_space<hbm>>
      tpu.enqueue_indirect_dma source(%dma_start3A_36 : memref<10000x128xf32, #tpu.memory_space<hbm>>) target(%arg10 : memref<128x128xf32, #tpu.memory_space<vmem>>) offsets(%arg8 : memref<128xi32, #tpu.memory_space<vmem>>) semaphore(%arg11 : memref<!tpu.dma_semaphore, #tpu.memory_space<semaphore_mem>>)
      %dma_wait3A = arith.constant 0 : i32
      %dma_wait3A_37 = arith.constant 0 : i32
      %dma_wait3A_38 = tpu.memref_slice %arg2[%dma_wait3A, %dma_wait3A_37] : memref<10000x128xf32, #tpu.memory_space<hbm>> -> memref<10000x128xf32, #tpu.memory_space<hbm>>
      tpu.wait_indirect_dma semaphore(%arg11 : memref<!tpu.dma_semaphore, #tpu.memory_space<semaphore_mem>>) src(%dma_wait3A_38 : memref<10000x128xf32, #tpu.memory_space<hbm>>) dst(%arg10 : memref<128x128xf32, #tpu.memory_space<vmem>>)
      "tpu.region"() ({
        %run_scoped3A = tpu.sem_alloc : memref<!tpu.dma_semaphore, #tpu.memory_space<semaphore_mem>>
        %dma_start3A_39 = arith.constant 0 : i32
        %dma_start3A_40 = arith.constant 0 : i32
        %dma_start3A_41 = tpu.memref_slice %arg7[%dma_start3A_39, %dma_start3A_40] : memref<10240x128xf32, #tpu.memory_space<vmem_shared>> -> memref<10240x128xf32, #tpu.memory_space<vmem_shared>>
        tpu.enqueue_indirect_dma source(%arg10 : memref<128x128xf32, #tpu.memory_space<vmem>>) target(%dma_start3A_41 : memref<10240x128xf32, #tpu.memory_space<vmem_shared>>) offsets(%arg9 : memref<128xi32, #tpu.memory_space<vmem>>) semaphore(%run_scoped3A : memref<!tpu.dma_semaphore, #tpu.memory_space<semaphore_mem>>) {add = true}
        %dma_wait3A_42 = arith.constant 0 : i32
        %dma_wait3A_43 = arith.constant 0 : i32
        %dma_wait3A_44 = tpu.memref_slice %arg7[%dma_wait3A_42, %dma_wait3A_43] : memref<10240x128xf32, #tpu.memory_space<vmem_shared>> -> memref<10240x128xf32, #tpu.memory_space<vmem_shared>>
        tpu.wait_indirect_dma semaphore(%run_scoped3A : memref<!tpu.dma_semaphore, #tpu.memory_space<semaphore_mem>>) src(%arg10 : memref<128x128xf32, #tpu.memory_space<vmem>>) dst(%dma_wait3A_44 : memref<10240x128xf32, #tpu.memory_space<vmem_shared>>)
        tpu.yield
      }) : () -> ()
    }
    %scan3A_17 = arith.constant 79 : i32
    %barrier3A_18 = arith.constant 0 : index
    tpu.barrier barrier_id(%barrier3A_18)
    %add3A_19 = arith.constant 0 : i32
    %add3A_20 = arith.addi %mul3A_2, %add3A_19 : i32
    "tpu.region"() ({
      %run_scoped3A = tpu.sem_alloc : memref<!tpu.dma_semaphore, #tpu.memory_space<semaphore_mem>>
      %dma_start3A = arith.constant 0 : i32
      %dma_start3A_29 = tpu.memref_slice %arg6[%arg0, %add3A_20, %dma_start3A] : memref<2x10240x128xf32, #tpu.memory_space<hbm>> -> memref<1x128x128xf32, #tpu.memory_space<hbm>>
      %dma_start3A_30 = tpu.memref_squeeze %dma_start3A_29 : memref<1x128x128xf32, #tpu.memory_space<hbm>> -> memref<128x128xf32, #tpu.memory_space<hbm>>
      %dma_start3A_31 = arith.constant 0 : i32
      %dma_start3A_32 = tpu.memref_slice %arg7[%add3A_20, %dma_start3A_31] : memref<10240x128xf32, #tpu.memory_space<vmem_shared>> -> memref<128x128xf32, #tpu.memory_space<vmem_shared>>
      tpu.enqueue_dma source(%dma_start3A_32 : memref<128x128xf32, #tpu.memory_space<vmem_shared>>) target(%dma_start3A_30 : memref<128x128xf32, #tpu.memory_space<hbm>>) target_semaphore(%run_scoped3A : memref<!tpu.dma_semaphore, #tpu.memory_space<semaphore_mem>>)
      %dma_wait3A = arith.constant 0 : i32
      %dma_wait3A_33 = tpu.memref_slice %arg6[%arg0, %add3A_20, %dma_wait3A] : memref<2x10240x128xf32, #tpu.memory_space<hbm>> -> memref<1x128x128xf32, #tpu.memory_space<hbm>>
      %dma_wait3A_34 = tpu.memref_squeeze %dma_wait3A_33 : memref<1x128x128xf32, #tpu.memory_space<hbm>> -> memref<128x128xf32, #tpu.memory_space<hbm>>
      %dma_wait3A_35 = arith.constant 0 : i32
      %dma_wait3A_36 = tpu.memref_slice %arg7[%add3A_20, %dma_wait3A_35] : memref<10240x128xf32, #tpu.memory_space<vmem_shared>> -> memref<128x128xf32, #tpu.memory_space<vmem_shared>>
      tpu.wait_dma2 semaphore(%run_scoped3A : memref<!tpu.dma_semaphore, #tpu.memory_space<semaphore_mem>>) src(%dma_wait3A_36 : memref<128x128xf32, #tpu.memory_space<vmem_shared>>) dst(%dma_wait3A_34 : memref<128x128xf32, #tpu.memory_space<hbm>>)
      tpu.yield
    }) : () -> ()
    %add3A_21 = arith.constant 128 : i32
    %add3A_22 = arith.addi %mul3A_2, %add3A_21 : i32
    "tpu.region"() ({
      %run_scoped3A = tpu.sem_alloc : memref<!tpu.dma_semaphore, #tpu.memory_space<semaphore_mem>>
      %dma_start3A = arith.constant 0 : i32
      %dma_start3A_29 = tpu.memref_slice %arg6[%arg0, %add3A_22, %dma_start3A] : memref<2x10240x128xf32, #tpu.memory_space<hbm>> -> memref<1x128x128xf32, #tpu.memory_space<hbm>>
      %dma_start3A_30 = tpu.memref_squeeze %dma_start3A_29 : memref<1x128x128xf32, #tpu.memory_space<hbm>> -> memref<128x128xf32, #tpu.memory_space<hbm>>
      %dma_start3A_31 = arith.constant 0 : i32
      %dma_start3A_32 = tpu.memref_slice %arg7[%add3A_22, %dma_start3A_31] : memref<10240x128xf32, #tpu.memory_space<vmem_shared>> -> memref<128x128xf32, #tpu.memory_space<vmem_shared>>
      tpu.enqueue_dma source(%dma_start3A_32 : memref<128x128xf32, #tpu.memory_space<vmem_shared>>) target(%dma_start3A_30 : memref<128x128xf32, #tpu.memory_space<hbm>>) target_semaphore(%run_scoped3A : memref<!tpu.dma_semaphore, #tpu.memory_space<semaphore_mem>>)
      %dma_wait3A = arith.constant 0 : i32
      %dma_wait3A_33 = tpu.memref_slice %arg6[%arg0, %add3A_22, %dma_wait3A] : memref<2x10240x128xf32, #tpu.memory_space<hbm>> -> memref<1x128x128xf32, #tpu.memory_space<hbm>>
      %dma_wait3A_34 = tpu.memref_squeeze %dma_wait3A_33 : memref<1x128x128xf32, #tpu.memory_space<hbm>> -> memref<128x128xf32, #tpu.memory_space<hbm>>
      %dma_wait3A_35 = arith.constant 0 : i32
      %dma_wait3A_36 = tpu.memref_slice %arg7[%add3A_22, %dma_wait3A_35] : memref<10240x128xf32, #tpu.memory_space<vmem_shared>> -> memref<128x128xf32, #tpu.memory_space<vmem_shared>>
      tpu.wait_dma2 semaphore(%run_scoped3A : memref<!tpu.dma_semaphore, #tpu.memory_space<semaphore_mem>>) src(%dma_wait3A_36 : memref<128x128xf32, #tpu.memory_space<vmem_shared>>) dst(%dma_wait3A_34 : memref<128x128xf32, #tpu.memory_space<hbm>>)
      tpu.yield
    }) : () -> ()
    %add3A_23 = arith.constant 256 : i32
    %add3A_24 = arith.addi %mul3A_2, %add3A_23 : i32
    "tpu.region"() ({
      %run_scoped3A = tpu.sem_alloc : memref<!tpu.dma_semaphore, #tpu.memory_space<semaphore_mem>>
      %dma_start3A = arith.constant 0 : i32
      %dma_start3A_29 = tpu.memref_slice %arg6[%arg0, %add3A_24, %dma_start3A] : memref<2x10240x128xf32, #tpu.memory_space<hbm>> -> memref<1x128x128xf32, #tpu.memory_space<hbm>>
      %dma_start3A_30 = tpu.memref_squeeze %dma_start3A_29 : memref<1x128x128xf32, #tpu.memory_space<hbm>> -> memref<128x128xf32, #tpu.memory_space<hbm>>
      %dma_start3A_31 = arith.constant 0 : i32
      %dma_start3A_32 = tpu.memref_slice %arg7[%add3A_24, %dma_start3A_31] : memref<10240x128xf32, #tpu.memory_space<vmem_shared>> -> memref<128x128xf32, #tpu.memory_space<vmem_shared>>
      tpu.enqueue_dma source(%dma_start3A_32 : memref<128x128xf32, #tpu.memory_space<vmem_shared>>) target(%dma_start3A_30 : memref<128x128xf32, #tpu.memory_space<hbm>>) target_semaphore(%run_scoped3A : memref<!tpu.dma_semaphore, #tpu.memory_space<semaphore_mem>>)
      %dma_wait3A = arith.constant 0 : i32
      %dma_wait3A_33 = tpu.memref_slice %arg6[%arg0, %add3A_24, %dma_wait3A] : memref<2x10240x128xf32, #tpu.memory_space<hbm>> -> memref<1x128x128xf32, #tpu.memory_space<hbm>>
      %dma_wait3A_34 = tpu.memref_squeeze %dma_wait3A_33 : memref<1x128x128xf32, #tpu.memory_space<hbm>> -> memref<128x128xf32, #tpu.memory_space<hbm>>
      %dma_wait3A_35 = arith.constant 0 : i32
      %dma_wait3A_36 = tpu.memref_slice %arg7[%add3A_24, %dma_wait3A_35] : memref<10240x128xf32, #tpu.memory_space<vmem_shared>> -> memref<128x128xf32, #tpu.memory_space<vmem_shared>>
      tpu.wait_dma2 semaphore(%run_scoped3A : memref<!tpu.dma_semaphore, #tpu.memory_space<semaphore_mem>>) src(%dma_wait3A_36 : memref<128x128xf32, #tpu.memory_space<vmem_shared>>) dst(%dma_wait3A_34 : memref<128x128xf32, #tpu.memory_space<hbm>>)
      tpu.yield
    }) : () -> ()
    %add3A_25 = arith.constant 384 : i32
    %add3A_26 = arith.addi %mul3A_2, %add3A_25 : i32
    "tpu.region"() ({
      %run_scoped3A = tpu.sem_alloc : memref<!tpu.dma_semaphore, #tpu.memory_space<semaphore_mem>>
      %dma_start3A = arith.constant 0 : i32
      %dma_start3A_29 = tpu.memref_slice %arg6[%arg0, %add3A_26, %dma_start3A] : memref<2x10240x128xf32, #tpu.memory_space<hbm>> -> memref<1x128x128xf32, #tpu.memory_space<hbm>>
      %dma_start3A_30 = tpu.memref_squeeze %dma_start3A_29 : memref<1x128x128xf32, #tpu.memory_space<hbm>> -> memref<128x128xf32, #tpu.memory_space<hbm>>
      %dma_start3A_31 = arith.constant 0 : i32
      %dma_start3A_32 = tpu.memref_slice %arg7[%add3A_26, %dma_start3A_31] : memref<10240x128xf32, #tpu.memory_space<vmem_shared>> -> memref<128x128xf32, #tpu.memory_space<vmem_shared>>
      tpu.enqueue_dma source(%dma_start3A_32 : memref<128x128xf32, #tpu.memory_space<vmem_shared>>) target(%dma_start3A_30 : memref<128x128xf32, #tpu.memory_space<hbm>>) target_semaphore(%run_scoped3A : memref<!tpu.dma_semaphore, #tpu.memory_space<semaphore_mem>>)
      %dma_wait3A = arith.constant 0 : i32
      %dma_wait3A_33 = tpu.memref_slice %arg6[%arg0, %add3A_26, %dma_wait3A] : memref<2x10240x128xf32, #tpu.memory_space<hbm>> -> memref<1x128x128xf32, #tpu.memory_space<hbm>>
      %dma_wait3A_34 = tpu.memref_squeeze %dma_wait3A_33 : memref<1x128x128xf32, #tpu.memory_space<hbm>> -> memref<128x128xf32, #tpu.memory_space<hbm>>
      %dma_wait3A_35 = arith.constant 0 : i32
      %dma_wait3A_36 = tpu.memref_slice %arg7[%add3A_26, %dma_wait3A_35] : memref<10240x128xf32, #tpu.memory_space<vmem_shared>> -> memref<128x128xf32, #tpu.memory_space<vmem_shared>>
      tpu.wait_dma2 semaphore(%run_scoped3A : memref<!tpu.dma_semaphore, #tpu.memory_space<semaphore_mem>>) src(%dma_wait3A_36 : memref<128x128xf32, #tpu.memory_space<vmem_shared>>) dst(%dma_wait3A_34 : memref<128x128xf32, #tpu.memory_space<hbm>>)
      tpu.yield
    }) : () -> ()
    %add3A_27 = arith.constant 512 : i32
    %add3A_28 = arith.addi %mul3A_2, %add3A_27 : i32
    "tpu.region"() ({
      %run_scoped3A = tpu.sem_alloc : memref<!tpu.dma_semaphore, #tpu.memory_space<semaphore_mem>>
      %dma_start3A = arith.constant 0 : i32
      %dma_start3A_29 = tpu.memref_slice %arg6[%arg0, %add3A_28, %dma_start3A] : memref<2x10240x128xf32, #tpu.memory_space<hbm>> -> memref<1x128x128xf32, #tpu.memory_space<hbm>>
      %dma_start3A_30 = tpu.memref_squeeze %dma_start3A_29 : memref<1x128x128xf32, #tpu.memory_space<hbm>> -> memref<128x128xf32, #tpu.memory_space<hbm>>
      %dma_start3A_31 = arith.constant 0 : i32
      %dma_start3A_32 = tpu.memref_slice %arg7[%add3A_28, %dma_start3A_31] : memref<10240x128xf32, #tpu.memory_space<vmem_shared>> -> memref<128x128xf32, #tpu.memory_space<vmem_shared>>
      tpu.enqueue_dma source(%dma_start3A_32 : memref<128x128xf32, #tpu.memory_space<vmem_shared>>) target(%dma_start3A_30 : memref<128x128xf32, #tpu.memory_space<hbm>>) target_semaphore(%run_scoped3A : memref<!tpu.dma_semaphore, #tpu.memory_space<semaphore_mem>>)
      %dma_wait3A = arith.constant 0 : i32
      %dma_wait3A_33 = tpu.memref_slice %arg6[%arg0, %add3A_28, %dma_wait3A] : memref<2x10240x128xf32, #tpu.memory_space<hbm>> -> memref<1x128x128xf32, #tpu.memory_space<hbm>>
      %dma_wait3A_34 = tpu.memref_squeeze %dma_wait3A_33 : memref<1x128x128xf32, #tpu.memory_space<hbm>> -> memref<128x128xf32, #tpu.memory_space<hbm>>
      %dma_wait3A_35 = arith.constant 0 : i32
      %dma_wait3A_36 = tpu.memref_slice %arg7[%add3A_28, %dma_wait3A_35] : memref<10240x128xf32, #tpu.memory_space<vmem_shared>> -> memref<128x128xf32, #tpu.memory_space<vmem_shared>>
      tpu.wait_dma2 semaphore(%run_scoped3A : memref<!tpu.dma_semaphore, #tpu.memory_space<semaphore_mem>>) src(%dma_wait3A_36 : memref<128x128xf32, #tpu.memory_space<vmem_shared>>) dst(%dma_wait3A_34 : memref<128x128xf32, #tpu.memory_space<hbm>>)
      tpu.yield
    }) : () -> ()
    return
  }
}

#map = affine_map<(d0, d1) -> (0, 0)>
#map1 = affine_map<(d0, d1) -> (0)>
#map2 = affine_map<(d0, d1) -> (0, 0, 0)>
module attributes {stable_mosaic.version = 14 : i64} {
  func.func @body(%arg0: i32, %arg1: i32, %arg2: memref<323584x128xf32, #tpu.memory_space<hbm>>, %arg3: memref<323584xi32, #tpu.memory_space<hbm>>, %arg4: memref<128x128xf32, #tpu.memory_space<hbm>>, %arg5: memref<2x10240x128xf32, #tpu.memory_space<hbm>>, %arg6: memref<10240x128xf32, #tpu.memory_space<vmem_shared>>, %arg7: memref<128xi32, #tpu.memory_space<vmem>>, %arg8: memref<128x128xf32, #tpu.memory_space<vmem>>) attributes {dimension_semantics = [#tpu.dimension_semantics<core_parallel>, #tpu.dimension_semantics<subcore_parallel>], iteration_bounds = array<i64: 2, 16>, scalar_prefetch = 0 : i64, scratch_operands = 3 : i64, tpu.core_type = #tpu.core_type<sc_vector_subcore>, window_params = [{transform_indices = #map}, {transform_indices = #map1}, {transform_indices = #map}, {transform_indices = #map2}]} {
    %mul3A = arith.constant 16 : i32
    %mul3A_0 = arith.muli %arg0, %mul3A : i32
    %add3A = arith.addi %mul3A_0, %arg1 : i32
    %mul3A_1 = arith.constant 640 : i32
    %mul3A_2 = arith.muli %arg1, %mul3A_1 : i32
    %add3A_3 = arith.constant 0 : i32
    %add3A_4 = arith.addi %mul3A_2, %add3A_3 : i32
    "tpu.region"() ({
      %run_scoped3A = tpu.sem_alloc : memref<!tpu.dma_semaphore, #tpu.memory_space<semaphore_mem>>
      %dma_start3A = arith.constant 0 : i32
      %dma_start3A_29 = tpu.memref_slice %arg6[%add3A_4, %dma_start3A] : memref<10240x128xf32, #tpu.memory_space<vmem_shared>> -> memref<128x128xf32, #tpu.memory_space<vmem_shared>>
      tpu.enqueue_dma source(%arg4 : memref<128x128xf32, #tpu.memory_space<hbm>>) target(%dma_start3A_29 : memref<128x128xf32, #tpu.memory_space<vmem_shared>>) target_semaphore(%run_scoped3A : memref<!tpu.dma_semaphore, #tpu.memory_space<semaphore_mem>>)
      %dma_wait3A = arith.constant 0 : i32
      %dma_wait3A_30 = tpu.memref_slice %arg6[%add3A_4, %dma_wait3A] : memref<10240x128xf32, #tpu.memory_space<vmem_shared>> -> memref<128x128xf32, #tpu.memory_space<vmem_shared>>
      tpu.wait_dma2 semaphore(%run_scoped3A : memref<!tpu.dma_semaphore, #tpu.memory_space<semaphore_mem>>) src(%arg4 : memref<128x128xf32, #tpu.memory_space<hbm>>) dst(%dma_wait3A_30 : memref<128x128xf32, #tpu.memory_space<vmem_shared>>)
      tpu.yield
    }) : () -> ()
    %add3A_5 = arith.constant 128 : i32
    %add3A_6 = arith.addi %mul3A_2, %add3A_5 : i32
    "tpu.region"() ({
      %run_scoped3A = tpu.sem_alloc : memref<!tpu.dma_semaphore, #tpu.memory_space<semaphore_mem>>
      %dma_start3A = arith.constant 0 : i32
      %dma_start3A_29 = tpu.memref_slice %arg6[%add3A_6, %dma_start3A] : memref<10240x128xf32, #tpu.memory_space<vmem_shared>> -> memref<128x128xf32, #tpu.memory_space<vmem_shared>>
      tpu.enqueue_dma source(%arg4 : memref<128x128xf32, #tpu.memory_space<hbm>>) target(%dma_start3A_29 : memref<128x128xf32, #tpu.memory_space<vmem_shared>>) target_semaphore(%run_scoped3A : memref<!tpu.dma_semaphore, #tpu.memory_space<semaphore_mem>>)
      %dma_wait3A = arith.constant 0 : i32
      %dma_wait3A_30 = tpu.memref_slice %arg6[%add3A_6, %dma_wait3A] : memref<10240x128xf32, #tpu.memory_space<vmem_shared>> -> memref<128x128xf32, #tpu.memory_space<vmem_shared>>
      tpu.wait_dma2 semaphore(%run_scoped3A : memref<!tpu.dma_semaphore, #tpu.memory_space<semaphore_mem>>) src(%arg4 : memref<128x128xf32, #tpu.memory_space<hbm>>) dst(%dma_wait3A_30 : memref<128x128xf32, #tpu.memory_space<vmem_shared>>)
      tpu.yield
    }) : () -> ()
    %add3A_7 = arith.constant 256 : i32
    %add3A_8 = arith.addi %mul3A_2, %add3A_7 : i32
    "tpu.region"() ({
      %run_scoped3A = tpu.sem_alloc : memref<!tpu.dma_semaphore, #tpu.memory_space<semaphore_mem>>
      %dma_start3A = arith.constant 0 : i32
      %dma_start3A_29 = tpu.memref_slice %arg6[%add3A_8, %dma_start3A] : memref<10240x128xf32, #tpu.memory_space<vmem_shared>> -> memref<128x128xf32, #tpu.memory_space<vmem_shared>>
      tpu.enqueue_dma source(%arg4 : memref<128x128xf32, #tpu.memory_space<hbm>>) target(%dma_start3A_29 : memref<128x128xf32, #tpu.memory_space<vmem_shared>>) target_semaphore(%run_scoped3A : memref<!tpu.dma_semaphore, #tpu.memory_space<semaphore_mem>>)
      %dma_wait3A = arith.constant 0 : i32
      %dma_wait3A_30 = tpu.memref_slice %arg6[%add3A_8, %dma_wait3A] : memref<10240x128xf32, #tpu.memory_space<vmem_shared>> -> memref<128x128xf32, #tpu.memory_space<vmem_shared>>
      tpu.wait_dma2 semaphore(%run_scoped3A : memref<!tpu.dma_semaphore, #tpu.memory_space<semaphore_mem>>) src(%arg4 : memref<128x128xf32, #tpu.memory_space<hbm>>) dst(%dma_wait3A_30 : memref<128x128xf32, #tpu.memory_space<vmem_shared>>)
      tpu.yield
    }) : () -> ()
    %add3A_9 = arith.constant 384 : i32
    %add3A_10 = arith.addi %mul3A_2, %add3A_9 : i32
    "tpu.region"() ({
      %run_scoped3A = tpu.sem_alloc : memref<!tpu.dma_semaphore, #tpu.memory_space<semaphore_mem>>
      %dma_start3A = arith.constant 0 : i32
      %dma_start3A_29 = tpu.memref_slice %arg6[%add3A_10, %dma_start3A] : memref<10240x128xf32, #tpu.memory_space<vmem_shared>> -> memref<128x128xf32, #tpu.memory_space<vmem_shared>>
      tpu.enqueue_dma source(%arg4 : memref<128x128xf32, #tpu.memory_space<hbm>>) target(%dma_start3A_29 : memref<128x128xf32, #tpu.memory_space<vmem_shared>>) target_semaphore(%run_scoped3A : memref<!tpu.dma_semaphore, #tpu.memory_space<semaphore_mem>>)
      %dma_wait3A = arith.constant 0 : i32
      %dma_wait3A_30 = tpu.memref_slice %arg6[%add3A_10, %dma_wait3A] : memref<10240x128xf32, #tpu.memory_space<vmem_shared>> -> memref<128x128xf32, #tpu.memory_space<vmem_shared>>
      tpu.wait_dma2 semaphore(%run_scoped3A : memref<!tpu.dma_semaphore, #tpu.memory_space<semaphore_mem>>) src(%arg4 : memref<128x128xf32, #tpu.memory_space<hbm>>) dst(%dma_wait3A_30 : memref<128x128xf32, #tpu.memory_space<vmem_shared>>)
      tpu.yield
    }) : () -> ()
    %add3A_11 = arith.constant 512 : i32
    %add3A_12 = arith.addi %mul3A_2, %add3A_11 : i32
    "tpu.region"() ({
      %run_scoped3A = tpu.sem_alloc : memref<!tpu.dma_semaphore, #tpu.memory_space<semaphore_mem>>
      %dma_start3A = arith.constant 0 : i32
      %dma_start3A_29 = tpu.memref_slice %arg6[%add3A_12, %dma_start3A] : memref<10240x128xf32, #tpu.memory_space<vmem_shared>> -> memref<128x128xf32, #tpu.memory_space<vmem_shared>>
      tpu.enqueue_dma source(%arg4 : memref<128x128xf32, #tpu.memory_space<hbm>>) target(%dma_start3A_29 : memref<128x128xf32, #tpu.memory_space<vmem_shared>>) target_semaphore(%run_scoped3A : memref<!tpu.dma_semaphore, #tpu.memory_space<semaphore_mem>>)
      %dma_wait3A = arith.constant 0 : i32
      %dma_wait3A_30 = tpu.memref_slice %arg6[%add3A_12, %dma_wait3A] : memref<10240x128xf32, #tpu.memory_space<vmem_shared>> -> memref<128x128xf32, #tpu.memory_space<vmem_shared>>
      tpu.wait_dma2 semaphore(%run_scoped3A : memref<!tpu.dma_semaphore, #tpu.memory_space<semaphore_mem>>) src(%arg4 : memref<128x128xf32, #tpu.memory_space<hbm>>) dst(%dma_wait3A_30 : memref<128x128xf32, #tpu.memory_space<vmem_shared>>)
      tpu.yield
    }) : () -> ()
    %barrier3A = arith.constant 0 : index
    tpu.barrier barrier_id(%barrier3A)
    %scan3A = arith.constant 0 : i32
    %scan3A_13 = arith.constant 0 : i32
    %scan3A_14 = arith.constant 79 : i32
    %scan3A_15 = arith.addi %scan3A_13, %scan3A_14 : i32
    %scan3A_16 = arith.constant 1 : i32
    scf.for %scan3A_29 = %scan3A_13 to %scan3A_15 step %scan3A_16  : i32 {
      %mul3A_30 = arith.constant 79 : i32
      %mul3A_31 = arith.muli %add3A, %mul3A_30 : i32
      %add3A_32 = arith.addi %mul3A_31, %scan3A_29 : i32
      %mul3A_33 = arith.constant 128 : i32
      %mul3A_34 = arith.muli %add3A_32, %mul3A_33 : i32
      "tpu.region"() ({
        %run_scoped3A = tpu.sem_alloc : memref<!tpu.dma_semaphore, #tpu.memory_space<semaphore_mem>>
        %dma_start3A = tpu.memref_slice %arg3[%mul3A_34] : memref<323584xi32, #tpu.memory_space<hbm>> -> memref<128xi32, #tpu.memory_space<hbm>>
        %dma_start3A_35 = tpu.memref_slice %arg3[%mul3A_34] : memref<323584xi32, #tpu.memory_space<hbm>> -> memref<128xi32, #tpu.memory_space<hbm>>
        tpu.enqueue_dma source(%dma_start3A_35 : memref<128xi32, #tpu.memory_space<hbm>>) target(%arg7 : memref<128xi32, #tpu.memory_space<vmem>>) target_semaphore(%run_scoped3A : memref<!tpu.dma_semaphore, #tpu.memory_space<semaphore_mem>>)
        %dma_wait3A = tpu.memref_slice %arg3[%mul3A_34] : memref<323584xi32, #tpu.memory_space<hbm>> -> memref<128xi32, #tpu.memory_space<hbm>>
        %dma_wait3A_36 = tpu.memref_slice %arg3[%mul3A_34] : memref<323584xi32, #tpu.memory_space<hbm>> -> memref<128xi32, #tpu.memory_space<hbm>>
        tpu.wait_dma2 semaphore(%run_scoped3A : memref<!tpu.dma_semaphore, #tpu.memory_space<semaphore_mem>>) src(%dma_wait3A_36 : memref<128xi32, #tpu.memory_space<hbm>>) dst(%arg7 : memref<128xi32, #tpu.memory_space<vmem>>)
        tpu.yield
      }) : () -> ()
      "tpu.region"() ({
        %run_scoped3A = tpu.sem_alloc : memref<!tpu.dma_semaphore, #tpu.memory_space<semaphore_mem>>
        %dma_start3A = arith.constant 0 : i32
        %dma_start3A_35 = tpu.memref_slice %arg2[%mul3A_34, %dma_start3A] : memref<323584x128xf32, #tpu.memory_space<hbm>> -> memref<128x128xf32, #tpu.memory_space<hbm>>
        %dma_start3A_36 = arith.constant 0 : i32
        %dma_start3A_37 = tpu.memref_slice %arg2[%mul3A_34, %dma_start3A_36] : memref<323584x128xf32, #tpu.memory_space<hbm>> -> memref<128x128xf32, #tpu.memory_space<hbm>>
        tpu.enqueue_dma source(%dma_start3A_37 : memref<128x128xf32, #tpu.memory_space<hbm>>) target(%arg8 : memref<128x128xf32, #tpu.memory_space<vmem>>) target_semaphore(%run_scoped3A : memref<!tpu.dma_semaphore, #tpu.memory_space<semaphore_mem>>)
        %dma_wait3A = arith.constant 0 : i32
        %dma_wait3A_38 = tpu.memref_slice %arg2[%mul3A_34, %dma_wait3A] : memref<323584x128xf32, #tpu.memory_space<hbm>> -> memref<128x128xf32, #tpu.memory_space<hbm>>
        %dma_wait3A_39 = arith.constant 0 : i32
        %dma_wait3A_40 = tpu.memref_slice %arg2[%mul3A_34, %dma_wait3A_39] : memref<323584x128xf32, #tpu.memory_space<hbm>> -> memref<128x128xf32, #tpu.memory_space<hbm>>
        tpu.wait_dma2 semaphore(%run_scoped3A : memref<!tpu.dma_semaphore, #tpu.memory_space<semaphore_mem>>) src(%dma_wait3A_40 : memref<128x128xf32, #tpu.memory_space<hbm>>) dst(%arg8 : memref<128x128xf32, #tpu.memory_space<vmem>>)
        tpu.yield
      }) : () -> ()
      "tpu.region"() ({
        %run_scoped3A = tpu.sem_alloc : memref<!tpu.dma_semaphore, #tpu.memory_space<semaphore_mem>>
        %dma_start3A = arith.constant 0 : i32
        %dma_start3A_35 = arith.constant 0 : i32
        %dma_start3A_36 = tpu.memref_slice %arg6[%dma_start3A, %dma_start3A_35] : memref<10240x128xf32, #tpu.memory_space<vmem_shared>> -> memref<10240x128xf32, #tpu.memory_space<vmem_shared>>
        tpu.enqueue_indirect_dma source(%arg8 : memref<128x128xf32, #tpu.memory_space<vmem>>) target(%dma_start3A_36 : memref<10240x128xf32, #tpu.memory_space<vmem_shared>>) offsets(%arg7 : memref<128xi32, #tpu.memory_space<vmem>>) semaphore(%run_scoped3A : memref<!tpu.dma_semaphore, #tpu.memory_space<semaphore_mem>>) {add = true}
        %dma_wait3A = arith.constant 0 : i32
        %dma_wait3A_37 = arith.constant 0 : i32
        %dma_wait3A_38 = tpu.memref_slice %arg6[%dma_wait3A, %dma_wait3A_37] : memref<10240x128xf32, #tpu.memory_space<vmem_shared>> -> memref<10240x128xf32, #tpu.memory_space<vmem_shared>>
        tpu.wait_indirect_dma semaphore(%run_scoped3A : memref<!tpu.dma_semaphore, #tpu.memory_space<semaphore_mem>>) src(%arg8 : memref<128x128xf32, #tpu.memory_space<vmem>>) dst(%dma_wait3A_38 : memref<10240x128xf32, #tpu.memory_space<vmem_shared>>)
        tpu.yield
      }) : () -> ()
    }
    %scan3A_17 = arith.constant 79 : i32
    %barrier3A_18 = arith.constant 0 : index
    tpu.barrier barrier_id(%barrier3A_18)
    %add3A_19 = arith.constant 0 : i32
    %add3A_20 = arith.addi %mul3A_2, %add3A_19 : i32
    "tpu.region"() ({
      %run_scoped3A = tpu.sem_alloc : memref<!tpu.dma_semaphore, #tpu.memory_space<semaphore_mem>>
      %dma_start3A = arith.constant 0 : i32
      %dma_start3A_29 = tpu.memref_slice %arg5[%arg0, %add3A_20, %dma_start3A] : memref<2x10240x128xf32, #tpu.memory_space<hbm>> -> memref<1x128x128xf32, #tpu.memory_space<hbm>>
      %dma_start3A_30 = tpu.memref_squeeze %dma_start3A_29 : memref<1x128x128xf32, #tpu.memory_space<hbm>> -> memref<128x128xf32, #tpu.memory_space<hbm>>
      %dma_start3A_31 = arith.constant 0 : i32
      %dma_start3A_32 = tpu.memref_slice %arg6[%add3A_20, %dma_start3A_31] : memref<10240x128xf32, #tpu.memory_space<vmem_shared>> -> memref<128x128xf32, #tpu.memory_space<vmem_shared>>
      tpu.enqueue_dma source(%dma_start3A_32 : memref<128x128xf32, #tpu.memory_space<vmem_shared>>) target(%dma_start3A_30 : memref<128x128xf32, #tpu.memory_space<hbm>>) target_semaphore(%run_scoped3A : memref<!tpu.dma_semaphore, #tpu.memory_space<semaphore_mem>>)
      %dma_wait3A = arith.constant 0 : i32
      %dma_wait3A_33 = tpu.memref_slice %arg5[%arg0, %add3A_20, %dma_wait3A] : memref<2x10240x128xf32, #tpu.memory_space<hbm>> -> memref<1x128x128xf32, #tpu.memory_space<hbm>>
      %dma_wait3A_34 = tpu.memref_squeeze %dma_wait3A_33 : memref<1x128x128xf32, #tpu.memory_space<hbm>> -> memref<128x128xf32, #tpu.memory_space<hbm>>
      %dma_wait3A_35 = arith.constant 0 : i32
      %dma_wait3A_36 = tpu.memref_slice %arg6[%add3A_20, %dma_wait3A_35] : memref<10240x128xf32, #tpu.memory_space<vmem_shared>> -> memref<128x128xf32, #tpu.memory_space<vmem_shared>>
      tpu.wait_dma2 semaphore(%run_scoped3A : memref<!tpu.dma_semaphore, #tpu.memory_space<semaphore_mem>>) src(%dma_wait3A_36 : memref<128x128xf32, #tpu.memory_space<vmem_shared>>) dst(%dma_wait3A_34 : memref<128x128xf32, #tpu.memory_space<hbm>>)
      tpu.yield
    }) : () -> ()
    %add3A_21 = arith.constant 128 : i32
    %add3A_22 = arith.addi %mul3A_2, %add3A_21 : i32
    "tpu.region"() ({
      %run_scoped3A = tpu.sem_alloc : memref<!tpu.dma_semaphore, #tpu.memory_space<semaphore_mem>>
      %dma_start3A = arith.constant 0 : i32
      %dma_start3A_29 = tpu.memref_slice %arg5[%arg0, %add3A_22, %dma_start3A] : memref<2x10240x128xf32, #tpu.memory_space<hbm>> -> memref<1x128x128xf32, #tpu.memory_space<hbm>>
      %dma_start3A_30 = tpu.memref_squeeze %dma_start3A_29 : memref<1x128x128xf32, #tpu.memory_space<hbm>> -> memref<128x128xf32, #tpu.memory_space<hbm>>
      %dma_start3A_31 = arith.constant 0 : i32
      %dma_start3A_32 = tpu.memref_slice %arg6[%add3A_22, %dma_start3A_31] : memref<10240x128xf32, #tpu.memory_space<vmem_shared>> -> memref<128x128xf32, #tpu.memory_space<vmem_shared>>
      tpu.enqueue_dma source(%dma_start3A_32 : memref<128x128xf32, #tpu.memory_space<vmem_shared>>) target(%dma_start3A_30 : memref<128x128xf32, #tpu.memory_space<hbm>>) target_semaphore(%run_scoped3A : memref<!tpu.dma_semaphore, #tpu.memory_space<semaphore_mem>>)
      %dma_wait3A = arith.constant 0 : i32
      %dma_wait3A_33 = tpu.memref_slice %arg5[%arg0, %add3A_22, %dma_wait3A] : memref<2x10240x128xf32, #tpu.memory_space<hbm>> -> memref<1x128x128xf32, #tpu.memory_space<hbm>>
      %dma_wait3A_34 = tpu.memref_squeeze %dma_wait3A_33 : memref<1x128x128xf32, #tpu.memory_space<hbm>> -> memref<128x128xf32, #tpu.memory_space<hbm>>
      %dma_wait3A_35 = arith.constant 0 : i32
      %dma_wait3A_36 = tpu.memref_slice %arg6[%add3A_22, %dma_wait3A_35] : memref<10240x128xf32, #tpu.memory_space<vmem_shared>> -> memref<128x128xf32, #tpu.memory_space<vmem_shared>>
      tpu.wait_dma2 semaphore(%run_scoped3A : memref<!tpu.dma_semaphore, #tpu.memory_space<semaphore_mem>>) src(%dma_wait3A_36 : memref<128x128xf32, #tpu.memory_space<vmem_shared>>) dst(%dma_wait3A_34 : memref<128x128xf32, #tpu.memory_space<hbm>>)
      tpu.yield
    }) : () -> ()
    %add3A_23 = arith.constant 256 : i32
    %add3A_24 = arith.addi %mul3A_2, %add3A_23 : i32
    "tpu.region"() ({
      %run_scoped3A = tpu.sem_alloc : memref<!tpu.dma_semaphore, #tpu.memory_space<semaphore_mem>>
      %dma_start3A = arith.constant 0 : i32
      %dma_start3A_29 = tpu.memref_slice %arg5[%arg0, %add3A_24, %dma_start3A] : memref<2x10240x128xf32, #tpu.memory_space<hbm>> -> memref<1x128x128xf32, #tpu.memory_space<hbm>>
      %dma_start3A_30 = tpu.memref_squeeze %dma_start3A_29 : memref<1x128x128xf32, #tpu.memory_space<hbm>> -> memref<128x128xf32, #tpu.memory_space<hbm>>
      %dma_start3A_31 = arith.constant 0 : i32
      %dma_start3A_32 = tpu.memref_slice %arg6[%add3A_24, %dma_start3A_31] : memref<10240x128xf32, #tpu.memory_space<vmem_shared>> -> memref<128x128xf32, #tpu.memory_space<vmem_shared>>
      tpu.enqueue_dma source(%dma_start3A_32 : memref<128x128xf32, #tpu.memory_space<vmem_shared>>) target(%dma_start3A_30 : memref<128x128xf32, #tpu.memory_space<hbm>>) target_semaphore(%run_scoped3A : memref<!tpu.dma_semaphore, #tpu.memory_space<semaphore_mem>>)
      %dma_wait3A = arith.constant 0 : i32
      %dma_wait3A_33 = tpu.memref_slice %arg5[%arg0, %add3A_24, %dma_wait3A] : memref<2x10240x128xf32, #tpu.memory_space<hbm>> -> memref<1x128x128xf32, #tpu.memory_space<hbm>>
      %dma_wait3A_34 = tpu.memref_squeeze %dma_wait3A_33 : memref<1x128x128xf32, #tpu.memory_space<hbm>> -> memref<128x128xf32, #tpu.memory_space<hbm>>
      %dma_wait3A_35 = arith.constant 0 : i32
      %dma_wait3A_36 = tpu.memref_slice %arg6[%add3A_24, %dma_wait3A_35] : memref<10240x128xf32, #tpu.memory_space<vmem_shared>> -> memref<128x128xf32, #tpu.memory_space<vmem_shared>>
      tpu.wait_dma2 semaphore(%run_scoped3A : memref<!tpu.dma_semaphore, #tpu.memory_space<semaphore_mem>>) src(%dma_wait3A_36 : memref<128x128xf32, #tpu.memory_space<vmem_shared>>) dst(%dma_wait3A_34 : memref<128x128xf32, #tpu.memory_space<hbm>>)
      tpu.yield
    }) : () -> ()
    %add3A_25 = arith.constant 384 : i32
    %add3A_26 = arith.addi %mul3A_2, %add3A_25 : i32
    "tpu.region"() ({
      %run_scoped3A = tpu.sem_alloc : memref<!tpu.dma_semaphore, #tpu.memory_space<semaphore_mem>>
      %dma_start3A = arith.constant 0 : i32
      %dma_start3A_29 = tpu.memref_slice %arg5[%arg0, %add3A_26, %dma_start3A] : memref<2x10240x128xf32, #tpu.memory_space<hbm>> -> memref<1x128x128xf32, #tpu.memory_space<hbm>>
      %dma_start3A_30 = tpu.memref_squeeze %dma_start3A_29 : memref<1x128x128xf32, #tpu.memory_space<hbm>> -> memref<128x128xf32, #tpu.memory_space<hbm>>
      %dma_start3A_31 = arith.constant 0 : i32
      %dma_start3A_32 = tpu.memref_slice %arg6[%add3A_26, %dma_start3A_31] : memref<10240x128xf32, #tpu.memory_space<vmem_shared>> -> memref<128x128xf32, #tpu.memory_space<vmem_shared>>
      tpu.enqueue_dma source(%dma_start3A_32 : memref<128x128xf32, #tpu.memory_space<vmem_shared>>) target(%dma_start3A_30 : memref<128x128xf32, #tpu.memory_space<hbm>>) target_semaphore(%run_scoped3A : memref<!tpu.dma_semaphore, #tpu.memory_space<semaphore_mem>>)
      %dma_wait3A = arith.constant 0 : i32
      %dma_wait3A_33 = tpu.memref_slice %arg5[%arg0, %add3A_26, %dma_wait3A] : memref<2x10240x128xf32, #tpu.memory_space<hbm>> -> memref<1x128x128xf32, #tpu.memory_space<hbm>>
      %dma_wait3A_34 = tpu.memref_squeeze %dma_wait3A_33 : memref<1x128x128xf32, #tpu.memory_space<hbm>> -> memref<128x128xf32, #tpu.memory_space<hbm>>
      %dma_wait3A_35 = arith.constant 0 : i32
      %dma_wait3A_36 = tpu.memref_slice %arg6[%add3A_26, %dma_wait3A_35] : memref<10240x128xf32, #tpu.memory_space<vmem_shared>> -> memref<128x128xf32, #tpu.memory_space<vmem_shared>>
      tpu.wait_dma2 semaphore(%run_scoped3A : memref<!tpu.dma_semaphore, #tpu.memory_space<semaphore_mem>>) src(%dma_wait3A_36 : memref<128x128xf32, #tpu.memory_space<vmem_shared>>) dst(%dma_wait3A_34 : memref<128x128xf32, #tpu.memory_space<hbm>>)
      tpu.yield
    }) : () -> ()
    %add3A_27 = arith.constant 512 : i32
    %add3A_28 = arith.addi %mul3A_2, %add3A_27 : i32
    "tpu.region"() ({
      %run_scoped3A = tpu.sem_alloc : memref<!tpu.dma_semaphore, #tpu.memory_space<semaphore_mem>>
      %dma_start3A = arith.constant 0 : i32
      %dma_start3A_29 = tpu.memref_slice %arg5[%arg0, %add3A_28, %dma_start3A] : memref<2x10240x128xf32, #tpu.memory_space<hbm>> -> memref<1x128x128xf32, #tpu.memory_space<hbm>>
      %dma_start3A_30 = tpu.memref_squeeze %dma_start3A_29 : memref<1x128x128xf32, #tpu.memory_space<hbm>> -> memref<128x128xf32, #tpu.memory_space<hbm>>
      %dma_start3A_31 = arith.constant 0 : i32
      %dma_start3A_32 = tpu.memref_slice %arg6[%add3A_28, %dma_start3A_31] : memref<10240x128xf32, #tpu.memory_space<vmem_shared>> -> memref<128x128xf32, #tpu.memory_space<vmem_shared>>
      tpu.enqueue_dma source(%dma_start3A_32 : memref<128x128xf32, #tpu.memory_space<vmem_shared>>) target(%dma_start3A_30 : memref<128x128xf32, #tpu.memory_space<hbm>>) target_semaphore(%run_scoped3A : memref<!tpu.dma_semaphore, #tpu.memory_space<semaphore_mem>>)
      %dma_wait3A = arith.constant 0 : i32
      %dma_wait3A_33 = tpu.memref_slice %arg5[%arg0, %add3A_28, %dma_wait3A] : memref<2x10240x128xf32, #tpu.memory_space<hbm>> -> memref<1x128x128xf32, #tpu.memory_space<hbm>>
      %dma_wait3A_34 = tpu.memref_squeeze %dma_wait3A_33 : memref<1x128x128xf32, #tpu.memory_space<hbm>> -> memref<128x128xf32, #tpu.memory_space<hbm>>
      %dma_wait3A_35 = arith.constant 0 : i32
      %dma_wait3A_36 = tpu.memref_slice %arg6[%add3A_28, %dma_wait3A_35] : memref<10240x128xf32, #tpu.memory_space<vmem_shared>> -> memref<128x128xf32, #tpu.memory_space<vmem_shared>>
      tpu.wait_dma2 semaphore(%run_scoped3A : memref<!tpu.dma_semaphore, #tpu.memory_space<semaphore_mem>>) src(%dma_wait3A_36 : memref<128x128xf32, #tpu.memory_space<vmem_shared>>) dst(%dma_wait3A_34 : memref<128x128xf32, #tpu.memory_space<hbm>>)
      tpu.yield
    }) : () -> ()
    return
  }
}

#map = affine_map<(d0, d1) -> (0, 0)>
#map1 = affine_map<(d0, d1) -> (0)>
#map2 = affine_map<(d0, d1) -> (0, 0, 0)>
module attributes {stable_mosaic.version = 14 : i64} {
  func.func @body(%arg0: i32, %arg1: i32, %arg2: memref<10000x128xf32, #tpu.memory_space<hbm>>, %arg3: memref<323584xi32, #tpu.memory_space<hbm>>, %arg4: memref<323584xi32, #tpu.memory_space<hbm>>, %arg5: memref<128x128xf32, #tpu.memory_space<hbm>>, %arg6: memref<2x10240x128xf32, #tpu.memory_space<hbm>>, %arg7: memref<10240x128xf32, #tpu.memory_space<vmem_shared>>, %arg8: memref<128xi32, #tpu.memory_space<vmem>>, %arg9: memref<128xi32, #tpu.memory_space<vmem>>, %arg10: memref<128x128xf32, #tpu.memory_space<vmem>>, %arg11: memref<!tpu.dma_semaphore, #tpu.memory_space<semaphore_mem>>) attributes {dimension_semantics = [#tpu.dimension_semantics<core_parallel>, #tpu.dimension_semantics<subcore_parallel>], iteration_bounds = array<i64: 2, 16>, scalar_prefetch = 0 : i64, scratch_operands = 5 : i64, tpu.core_type = #tpu.core_type<sc_vector_subcore>, window_params = [{transform_indices = #map}, {transform_indices = #map1}, {transform_indices = #map1}, {transform_indices = #map}, {transform_indices = #map2}]} {
    %mul3A = arith.constant 16 : i32
    %mul3A_0 = arith.muli %arg0, %mul3A : i32
    %add3A = arith.addi %mul3A_0, %arg1 : i32
    %mul3A_1 = arith.constant 640 : i32
    %mul3A_2 = arith.muli %arg1, %mul3A_1 : i32
    %add3A_3 = arith.constant 0 : i32
    %add3A_4 = arith.addi %mul3A_2, %add3A_3 : i32
    "tpu.region"() ({
      %run_scoped3A = tpu.sem_alloc : memref<!tpu.dma_semaphore, #tpu.memory_space<semaphore_mem>>
      %dma_start3A = arith.constant 0 : i32
      %dma_start3A_29 = tpu.memref_slice %arg7[%add3A_4, %dma_start3A] : memref<10240x128xf32, #tpu.memory_space<vmem_shared>> -> memref<128x128xf32, #tpu.memory_space<vmem_shared>>
      tpu.enqueue_dma source(%arg5 : memref<128x128xf32, #tpu.memory_space<hbm>>) target(%dma_start3A_29 : memref<128x128xf32, #tpu.memory_space<vmem_shared>>) target_semaphore(%run_scoped3A : memref<!tpu.dma_semaphore, #tpu.memory_space<semaphore_mem>>)
      %dma_wait3A = arith.constant 0 : i32
      %dma_wait3A_30 = tpu.memref_slice %arg7[%add3A_4, %dma_wait3A] : memref<10240x128xf32, #tpu.memory_space<vmem_shared>> -> memref<128x128xf32, #tpu.memory_space<vmem_shared>>
      tpu.wait_dma2 semaphore(%run_scoped3A : memref<!tpu.dma_semaphore, #tpu.memory_space<semaphore_mem>>) src(%arg5 : memref<128x128xf32, #tpu.memory_space<hbm>>) dst(%dma_wait3A_30 : memref<128x128xf32, #tpu.memory_space<vmem_shared>>)
      tpu.yield
    }) : () -> ()
    %add3A_5 = arith.constant 128 : i32
    %add3A_6 = arith.addi %mul3A_2, %add3A_5 : i32
    "tpu.region"() ({
      %run_scoped3A = tpu.sem_alloc : memref<!tpu.dma_semaphore, #tpu.memory_space<semaphore_mem>>
      %dma_start3A = arith.constant 0 : i32
      %dma_start3A_29 = tpu.memref_slice %arg7[%add3A_6, %dma_start3A] : memref<10240x128xf32, #tpu.memory_space<vmem_shared>> -> memref<128x128xf32, #tpu.memory_space<vmem_shared>>
      tpu.enqueue_dma source(%arg5 : memref<128x128xf32, #tpu.memory_space<hbm>>) target(%dma_start3A_29 : memref<128x128xf32, #tpu.memory_space<vmem_shared>>) target_semaphore(%run_scoped3A : memref<!tpu.dma_semaphore, #tpu.memory_space<semaphore_mem>>)
      %dma_wait3A = arith.constant 0 : i32
      %dma_wait3A_30 = tpu.memref_slice %arg7[%add3A_6, %dma_wait3A] : memref<10240x128xf32, #tpu.memory_space<vmem_shared>> -> memref<128x128xf32, #tpu.memory_space<vmem_shared>>
      tpu.wait_dma2 semaphore(%run_scoped3A : memref<!tpu.dma_semaphore, #tpu.memory_space<semaphore_mem>>) src(%arg5 : memref<128x128xf32, #tpu.memory_space<hbm>>) dst(%dma_wait3A_30 : memref<128x128xf32, #tpu.memory_space<vmem_shared>>)
      tpu.yield
    }) : () -> ()
    %add3A_7 = arith.constant 256 : i32
    %add3A_8 = arith.addi %mul3A_2, %add3A_7 : i32
    "tpu.region"() ({
      %run_scoped3A = tpu.sem_alloc : memref<!tpu.dma_semaphore, #tpu.memory_space<semaphore_mem>>
      %dma_start3A = arith.constant 0 : i32
      %dma_start3A_29 = tpu.memref_slice %arg7[%add3A_8, %dma_start3A] : memref<10240x128xf32, #tpu.memory_space<vmem_shared>> -> memref<128x128xf32, #tpu.memory_space<vmem_shared>>
      tpu.enqueue_dma source(%arg5 : memref<128x128xf32, #tpu.memory_space<hbm>>) target(%dma_start3A_29 : memref<128x128xf32, #tpu.memory_space<vmem_shared>>) target_semaphore(%run_scoped3A : memref<!tpu.dma_semaphore, #tpu.memory_space<semaphore_mem>>)
      %dma_wait3A = arith.constant 0 : i32
      %dma_wait3A_30 = tpu.memref_slice %arg7[%add3A_8, %dma_wait3A] : memref<10240x128xf32, #tpu.memory_space<vmem_shared>> -> memref<128x128xf32, #tpu.memory_space<vmem_shared>>
      tpu.wait_dma2 semaphore(%run_scoped3A : memref<!tpu.dma_semaphore, #tpu.memory_space<semaphore_mem>>) src(%arg5 : memref<128x128xf32, #tpu.memory_space<hbm>>) dst(%dma_wait3A_30 : memref<128x128xf32, #tpu.memory_space<vmem_shared>>)
      tpu.yield
    }) : () -> ()
    %add3A_9 = arith.constant 384 : i32
    %add3A_10 = arith.addi %mul3A_2, %add3A_9 : i32
    "tpu.region"() ({
      %run_scoped3A = tpu.sem_alloc : memref<!tpu.dma_semaphore, #tpu.memory_space<semaphore_mem>>
      %dma_start3A = arith.constant 0 : i32
      %dma_start3A_29 = tpu.memref_slice %arg7[%add3A_10, %dma_start3A] : memref<10240x128xf32, #tpu.memory_space<vmem_shared>> -> memref<128x128xf32, #tpu.memory_space<vmem_shared>>
      tpu.enqueue_dma source(%arg5 : memref<128x128xf32, #tpu.memory_space<hbm>>) target(%dma_start3A_29 : memref<128x128xf32, #tpu.memory_space<vmem_shared>>) target_semaphore(%run_scoped3A : memref<!tpu.dma_semaphore, #tpu.memory_space<semaphore_mem>>)
      %dma_wait3A = arith.constant 0 : i32
      %dma_wait3A_30 = tpu.memref_slice %arg7[%add3A_10, %dma_wait3A] : memref<10240x128xf32, #tpu.memory_space<vmem_shared>> -> memref<128x128xf32, #tpu.memory_space<vmem_shared>>
      tpu.wait_dma2 semaphore(%run_scoped3A : memref<!tpu.dma_semaphore, #tpu.memory_space<semaphore_mem>>) src(%arg5 : memref<128x128xf32, #tpu.memory_space<hbm>>) dst(%dma_wait3A_30 : memref<128x128xf32, #tpu.memory_space<vmem_shared>>)
      tpu.yield
    }) : () -> ()
    %add3A_11 = arith.constant 512 : i32
    %add3A_12 = arith.addi %mul3A_2, %add3A_11 : i32
    "tpu.region"() ({
      %run_scoped3A = tpu.sem_alloc : memref<!tpu.dma_semaphore, #tpu.memory_space<semaphore_mem>>
      %dma_start3A = arith.constant 0 : i32
      %dma_start3A_29 = tpu.memref_slice %arg7[%add3A_12, %dma_start3A] : memref<10240x128xf32, #tpu.memory_space<vmem_shared>> -> memref<128x128xf32, #tpu.memory_space<vmem_shared>>
      tpu.enqueue_dma source(%arg5 : memref<128x128xf32, #tpu.memory_space<hbm>>) target(%dma_start3A_29 : memref<128x128xf32, #tpu.memory_space<vmem_shared>>) target_semaphore(%run_scoped3A : memref<!tpu.dma_semaphore, #tpu.memory_space<semaphore_mem>>)
      %dma_wait3A = arith.constant 0 : i32
      %dma_wait3A_30 = tpu.memref_slice %arg7[%add3A_12, %dma_wait3A] : memref<10240x128xf32, #tpu.memory_space<vmem_shared>> -> memref<128x128xf32, #tpu.memory_space<vmem_shared>>
      tpu.wait_dma2 semaphore(%run_scoped3A : memref<!tpu.dma_semaphore, #tpu.memory_space<semaphore_mem>>) src(%arg5 : memref<128x128xf32, #tpu.memory_space<hbm>>) dst(%dma_wait3A_30 : memref<128x128xf32, #tpu.memory_space<vmem_shared>>)
      tpu.yield
    }) : () -> ()
    %barrier3A = arith.constant 0 : index
    tpu.barrier barrier_id(%barrier3A)
    %scan3A = arith.constant 0 : i32
    %scan3A_13 = arith.constant 0 : i32
    %scan3A_14 = arith.constant 79 : i32
    %scan3A_15 = arith.addi %scan3A_13, %scan3A_14 : i32
    %scan3A_16 = arith.constant 1 : i32
    scf.for %scan3A_29 = %scan3A_13 to %scan3A_15 step %scan3A_16  : i32 {
      %mul3A_30 = arith.constant 79 : i32
      %mul3A_31 = arith.muli %add3A, %mul3A_30 : i32
      %add3A_32 = arith.addi %mul3A_31, %scan3A_29 : i32
      %mul3A_33 = arith.constant 128 : i32
      %mul3A_34 = arith.muli %add3A_32, %mul3A_33 : i32
      "tpu.region"() ({
        %run_scoped3A = tpu.sem_alloc : memref<!tpu.dma_semaphore, #tpu.memory_space<semaphore_mem>>
        %dma_start3A_39 = tpu.memref_slice %arg3[%mul3A_34] : memref<323584xi32, #tpu.memory_space<hbm>> -> memref<128xi32, #tpu.memory_space<hbm>>
        %dma_start3A_40 = tpu.memref_slice %arg3[%mul3A_34] : memref<323584xi32, #tpu.memory_space<hbm>> -> memref<128xi32, #tpu.memory_space<hbm>>
        tpu.enqueue_dma source(%dma_start3A_40 : memref<128xi32, #tpu.memory_space<hbm>>) target(%arg8 : memref<128xi32, #tpu.memory_space<vmem>>) target_semaphore(%run_scoped3A : memref<!tpu.dma_semaphore, #tpu.memory_space<semaphore_mem>>)
        %dma_wait3A_41 = tpu.memref_slice %arg3[%mul3A_34] : memref<323584xi32, #tpu.memory_space<hbm>> -> memref<128xi32, #tpu.memory_space<hbm>>
        %dma_wait3A_42 = tpu.memref_slice %arg3[%mul3A_34] : memref<323584xi32, #tpu.memory_space<hbm>> -> memref<128xi32, #tpu.memory_space<hbm>>
        tpu.wait_dma2 semaphore(%run_scoped3A : memref<!tpu.dma_semaphore, #tpu.memory_space<semaphore_mem>>) src(%dma_wait3A_42 : memref<128xi32, #tpu.memory_space<hbm>>) dst(%arg8 : memref<128xi32, #tpu.memory_space<vmem>>)
        tpu.yield
      }) : () -> ()
      "tpu.region"() ({
        %run_scoped3A = tpu.sem_alloc : memref<!tpu.dma_semaphore, #tpu.memory_space<semaphore_mem>>
        %dma_start3A_39 = tpu.memref_slice %arg4[%mul3A_34] : memref<323584xi32, #tpu.memory_space<hbm>> -> memref<128xi32, #tpu.memory_space<hbm>>
        %dma_start3A_40 = tpu.memref_slice %arg4[%mul3A_34] : memref<323584xi32, #tpu.memory_space<hbm>> -> memref<128xi32, #tpu.memory_space<hbm>>
        tpu.enqueue_dma source(%dma_start3A_40 : memref<128xi32, #tpu.memory_space<hbm>>) target(%arg9 : memref<128xi32, #tpu.memory_space<vmem>>) target_semaphore(%run_scoped3A : memref<!tpu.dma_semaphore, #tpu.memory_space<semaphore_mem>>)
        %dma_wait3A_41 = tpu.memref_slice %arg4[%mul3A_34] : memref<323584xi32, #tpu.memory_space<hbm>> -> memref<128xi32, #tpu.memory_space<hbm>>
        %dma_wait3A_42 = tpu.memref_slice %arg4[%mul3A_34] : memref<323584xi32, #tpu.memory_space<hbm>> -> memref<128xi32, #tpu.memory_space<hbm>>
        tpu.wait_dma2 semaphore(%run_scoped3A : memref<!tpu.dma_semaphore, #tpu.memory_space<semaphore_mem>>) src(%dma_wait3A_42 : memref<128xi32, #tpu.memory_space<hbm>>) dst(%arg9 : memref<128xi32, #tpu.memory_space<vmem>>)
        tpu.yield
      }) : () -> ()
      %dma_start3A = arith.constant 0 : i32
      %dma_start3A_35 = arith.constant 0 : i32
      %dma_start3A_36 = tpu.memref_slice %arg2[%dma_start3A, %dma_start3A_35] : memref<10000x128xf32, #tpu.memory_space<hbm>> -> memref<10000x128xf32, #tpu.memory_space<hbm>>
      tpu.enqueue_indirect_dma source(%dma_start3A_36 : memref<10000x128xf32, #tpu.memory_space<hbm>>) target(%arg10 : memref<128x128xf32, #tpu.memory_space<vmem>>) offsets(%arg8 : memref<128xi32, #tpu.memory_space<vmem>>) semaphore(%arg11 : memref<!tpu.dma_semaphore, #tpu.memory_space<semaphore_mem>>)
      %dma_wait3A = arith.constant 0 : i32
      %dma_wait3A_37 = arith.constant 0 : i32
      %dma_wait3A_38 = tpu.memref_slice %arg2[%dma_wait3A, %dma_wait3A_37] : memref<10000x128xf32, #tpu.memory_space<hbm>> -> memref<10000x128xf32, #tpu.memory_space<hbm>>
      tpu.wait_indirect_dma semaphore(%arg11 : memref<!tpu.dma_semaphore, #tpu.memory_space<semaphore_mem>>) src(%dma_wait3A_38 : memref<10000x128xf32, #tpu.memory_space<hbm>>) dst(%arg10 : memref<128x128xf32, #tpu.memory_space<vmem>>)
      "tpu.region"() ({
        %run_scoped3A = tpu.sem_alloc : memref<!tpu.dma_semaphore, #tpu.memory_space<semaphore_mem>>
        %dma_start3A_39 = arith.constant 0 : i32
        %dma_start3A_40 = arith.constant 0 : i32
        %dma_start3A_41 = tpu.memref_slice %arg7[%dma_start3A_39, %dma_start3A_40] : memref<10240x128xf32, #tpu.memory_space<vmem_shared>> -> memref<10240x128xf32, #tpu.memory_space<vmem_shared>>
        tpu.enqueue_indirect_dma source(%arg10 : memref<128x128xf32, #tpu.memory_space<vmem>>) target(%dma_start3A_41 : memref<10240x128xf32, #tpu.memory_space<vmem_shared>>) offsets(%arg9 : memref<128xi32, #tpu.memory_space<vmem>>) semaphore(%run_scoped3A : memref<!tpu.dma_semaphore, #tpu.memory_space<semaphore_mem>>) {add = true}
        %dma_wait3A_42 = arith.constant 0 : i32
        %dma_wait3A_43 = arith.constant 0 : i32
        %dma_wait3A_44 = tpu.memref_slice %arg7[%dma_wait3A_42, %dma_wait3A_43] : memref<10240x128xf32, #tpu.memory_space<vmem_shared>> -> memref<10240x128xf32, #tpu.memory_space<vmem_shared>>
        tpu.wait_indirect_dma semaphore(%run_scoped3A : memref<!tpu.dma_semaphore, #tpu.memory_space<semaphore_mem>>) src(%arg10 : memref<128x128xf32, #tpu.memory_space<vmem>>) dst(%dma_wait3A_44 : memref<10240x128xf32, #tpu.memory_space<vmem_shared>>)
        tpu.yield
      }) : () -> ()
    }
    %scan3A_17 = arith.constant 79 : i32
    %barrier3A_18 = arith.constant 0 : index
    tpu.barrier barrier_id(%barrier3A_18)
    %add3A_19 = arith.constant 0 : i32
    %add3A_20 = arith.addi %mul3A_2, %add3A_19 : i32
    "tpu.region"() ({
      %run_scoped3A = tpu.sem_alloc : memref<!tpu.dma_semaphore, #tpu.memory_space<semaphore_mem>>
      %dma_start3A = arith.constant 0 : i32
      %dma_start3A_29 = tpu.memref_slice %arg6[%arg0, %add3A_20, %dma_start3A] : memref<2x10240x128xf32, #tpu.memory_space<hbm>> -> memref<1x128x128xf32, #tpu.memory_space<hbm>>
      %dma_start3A_30 = tpu.memref_squeeze %dma_start3A_29 : memref<1x128x128xf32, #tpu.memory_space<hbm>> -> memref<128x128xf32, #tpu.memory_space<hbm>>
      %dma_start3A_31 = arith.constant 0 : i32
      %dma_start3A_32 = tpu.memref_slice %arg7[%add3A_20, %dma_start3A_31] : memref<10240x128xf32, #tpu.memory_space<vmem_shared>> -> memref<128x128xf32, #tpu.memory_space<vmem_shared>>
      tpu.enqueue_dma source(%dma_start3A_32 : memref<128x128xf32, #tpu.memory_space<vmem_shared>>) target(%dma_start3A_30 : memref<128x128xf32, #tpu.memory_space<hbm>>) target_semaphore(%run_scoped3A : memref<!tpu.dma_semaphore, #tpu.memory_space<semaphore_mem>>)
      %dma_wait3A = arith.constant 0 : i32
      %dma_wait3A_33 = tpu.memref_slice %arg6[%arg0, %add3A_20, %dma_wait3A] : memref<2x10240x128xf32, #tpu.memory_space<hbm>> -> memref<1x128x128xf32, #tpu.memory_space<hbm>>
      %dma_wait3A_34 = tpu.memref_squeeze %dma_wait3A_33 : memref<1x128x128xf32, #tpu.memory_space<hbm>> -> memref<128x128xf32, #tpu.memory_space<hbm>>
      %dma_wait3A_35 = arith.constant 0 : i32
      %dma_wait3A_36 = tpu.memref_slice %arg7[%add3A_20, %dma_wait3A_35] : memref<10240x128xf32, #tpu.memory_space<vmem_shared>> -> memref<128x128xf32, #tpu.memory_space<vmem_shared>>
      tpu.wait_dma2 semaphore(%run_scoped3A : memref<!tpu.dma_semaphore, #tpu.memory_space<semaphore_mem>>) src(%dma_wait3A_36 : memref<128x128xf32, #tpu.memory_space<vmem_shared>>) dst(%dma_wait3A_34 : memref<128x128xf32, #tpu.memory_space<hbm>>)
      tpu.yield
    }) : () -> ()
    %add3A_21 = arith.constant 128 : i32
    %add3A_22 = arith.addi %mul3A_2, %add3A_21 : i32
    "tpu.region"() ({
      %run_scoped3A = tpu.sem_alloc : memref<!tpu.dma_semaphore, #tpu.memory_space<semaphore_mem>>
      %dma_start3A = arith.constant 0 : i32
      %dma_start3A_29 = tpu.memref_slice %arg6[%arg0, %add3A_22, %dma_start3A] : memref<2x10240x128xf32, #tpu.memory_space<hbm>> -> memref<1x128x128xf32, #tpu.memory_space<hbm>>
      %dma_start3A_30 = tpu.memref_squeeze %dma_start3A_29 : memref<1x128x128xf32, #tpu.memory_space<hbm>> -> memref<128x128xf32, #tpu.memory_space<hbm>>
      %dma_start3A_31 = arith.constant 0 : i32
      %dma_start3A_32 = tpu.memref_slice %arg7[%add3A_22, %dma_start3A_31] : memref<10240x128xf32, #tpu.memory_space<vmem_shared>> -> memref<128x128xf32, #tpu.memory_space<vmem_shared>>
      tpu.enqueue_dma source(%dma_start3A_32 : memref<128x128xf32, #tpu.memory_space<vmem_shared>>) target(%dma_start3A_30 : memref<128x128xf32, #tpu.memory_space<hbm>>) target_semaphore(%run_scoped3A : memref<!tpu.dma_semaphore, #tpu.memory_space<semaphore_mem>>)
      %dma_wait3A = arith.constant 0 : i32
      %dma_wait3A_33 = tpu.memref_slice %arg6[%arg0, %add3A_22, %dma_wait3A] : memref<2x10240x128xf32, #tpu.memory_space<hbm>> -> memref<1x128x128xf32, #tpu.memory_space<hbm>>
      %dma_wait3A_34 = tpu.memref_squeeze %dma_wait3A_33 : memref<1x128x128xf32, #tpu.memory_space<hbm>> -> memref<128x128xf32, #tpu.memory_space<hbm>>
      %dma_wait3A_35 = arith.constant 0 : i32
      %dma_wait3A_36 = tpu.memref_slice %arg7[%add3A_22, %dma_wait3A_35] : memref<10240x128xf32, #tpu.memory_space<vmem_shared>> -> memref<128x128xf32, #tpu.memory_space<vmem_shared>>
      tpu.wait_dma2 semaphore(%run_scoped3A : memref<!tpu.dma_semaphore, #tpu.memory_space<semaphore_mem>>) src(%dma_wait3A_36 : memref<128x128xf32, #tpu.memory_space<vmem_shared>>) dst(%dma_wait3A_34 : memref<128x128xf32, #tpu.memory_space<hbm>>)
      tpu.yield
    }) : () -> ()
    %add3A_23 = arith.constant 256 : i32
    %add3A_24 = arith.addi %mul3A_2, %add3A_23 : i32
    "tpu.region"() ({
      %run_scoped3A = tpu.sem_alloc : memref<!tpu.dma_semaphore, #tpu.memory_space<semaphore_mem>>
      %dma_start3A = arith.constant 0 : i32
      %dma_start3A_29 = tpu.memref_slice %arg6[%arg0, %add3A_24, %dma_start3A] : memref<2x10240x128xf32, #tpu.memory_space<hbm>> -> memref<1x128x128xf32, #tpu.memory_space<hbm>>
      %dma_start3A_30 = tpu.memref_squeeze %dma_start3A_29 : memref<1x128x128xf32, #tpu.memory_space<hbm>> -> memref<128x128xf32, #tpu.memory_space<hbm>>
      %dma_start3A_31 = arith.constant 0 : i32
      %dma_start3A_32 = tpu.memref_slice %arg7[%add3A_24, %dma_start3A_31] : memref<10240x128xf32, #tpu.memory_space<vmem_shared>> -> memref<128x128xf32, #tpu.memory_space<vmem_shared>>
      tpu.enqueue_dma source(%dma_start3A_32 : memref<128x128xf32, #tpu.memory_space<vmem_shared>>) target(%dma_start3A_30 : memref<128x128xf32, #tpu.memory_space<hbm>>) target_semaphore(%run_scoped3A : memref<!tpu.dma_semaphore, #tpu.memory_space<semaphore_mem>>)
      %dma_wait3A = arith.constant 0 : i32
      %dma_wait3A_33 = tpu.memref_slice %arg6[%arg0, %add3A_24, %dma_wait3A] : memref<2x10240x128xf32, #tpu.memory_space<hbm>> -> memref<1x128x128xf32, #tpu.memory_space<hbm>>
      %dma_wait3A_34 = tpu.memref_squeeze %dma_wait3A_33 : memref<1x128x128xf32, #tpu.memory_space<hbm>> -> memref<128x128xf32, #tpu.memory_space<hbm>>
      %dma_wait3A_35 = arith.constant 0 : i32
      %dma_wait3A_36 = tpu.memref_slice %arg7[%add3A_24, %dma_wait3A_35] : memref<10240x128xf32, #tpu.memory_space<vmem_shared>> -> memref<128x128xf32, #tpu.memory_space<vmem_shared>>
      tpu.wait_dma2 semaphore(%run_scoped3A : memref<!tpu.dma_semaphore, #tpu.memory_space<semaphore_mem>>) src(%dma_wait3A_36 : memref<128x128xf32, #tpu.memory_space<vmem_shared>>) dst(%dma_wait3A_34 : memref<128x128xf32, #tpu.memory_space<hbm>>)
      tpu.yield
    }) : () -> ()
    %add3A_25 = arith.constant 384 : i32
    %add3A_26 = arith.addi %mul3A_2, %add3A_25 : i32
    "tpu.region"() ({
      %run_scoped3A = tpu.sem_alloc : memref<!tpu.dma_semaphore, #tpu.memory_space<semaphore_mem>>
      %dma_start3A = arith.constant 0 : i32
      %dma_start3A_29 = tpu.memref_slice %arg6[%arg0, %add3A_26, %dma_start3A] : memref<2x10240x128xf32, #tpu.memory_space<hbm>> -> memref<1x128x128xf32, #tpu.memory_space<hbm>>
      %dma_start3A_30 = tpu.memref_squeeze %dma_start3A_29 : memref<1x128x128xf32, #tpu.memory_space<hbm>> -> memref<128x128xf32, #tpu.memory_space<hbm>>
      %dma_start3A_31 = arith.constant 0 : i32
      %dma_start3A_32 = tpu.memref_slice %arg7[%add3A_26, %dma_start3A_31] : memref<10240x128xf32, #tpu.memory_space<vmem_shared>> -> memref<128x128xf32, #tpu.memory_space<vmem_shared>>
      tpu.enqueue_dma source(%dma_start3A_32 : memref<128x128xf32, #tpu.memory_space<vmem_shared>>) target(%dma_start3A_30 : memref<128x128xf32, #tpu.memory_space<hbm>>) target_semaphore(%run_scoped3A : memref<!tpu.dma_semaphore, #tpu.memory_space<semaphore_mem>>)
      %dma_wait3A = arith.constant 0 : i32
      %dma_wait3A_33 = tpu.memref_slice %arg6[%arg0, %add3A_26, %dma_wait3A] : memref<2x10240x128xf32, #tpu.memory_space<hbm>> -> memref<1x128x128xf32, #tpu.memory_space<hbm>>
      %dma_wait3A_34 = tpu.memref_squeeze %dma_wait3A_33 : memref<1x128x128xf32, #tpu.memory_space<hbm>> -> memref<128x128xf32, #tpu.memory_space<hbm>>
      %dma_wait3A_35 = arith.constant 0 : i32
      %dma_wait3A_36 = tpu.memref_slice %arg7[%add3A_26, %dma_wait3A_35] : memref<10240x128xf32, #tpu.memory_space<vmem_shared>> -> memref<128x128xf32, #tpu.memory_space<vmem_shared>>
      tpu.wait_dma2 semaphore(%run_scoped3A : memref<!tpu.dma_semaphore, #tpu.memory_space<semaphore_mem>>) src(%dma_wait3A_36 : memref<128x128xf32, #tpu.memory_space<vmem_shared>>) dst(%dma_wait3A_34 : memref<128x128xf32, #tpu.memory_space<hbm>>)
      tpu.yield
    }) : () -> ()
    %add3A_27 = arith.constant 512 : i32
    %add3A_28 = arith.addi %mul3A_2, %add3A_27 : i32
    "tpu.region"() ({
      %run_scoped3A = tpu.sem_alloc : memref<!tpu.dma_semaphore, #tpu.memory_space<semaphore_mem>>
      %dma_start3A = arith.constant 0 : i32
      %dma_start3A_29 = tpu.memref_slice %arg6[%arg0, %add3A_28, %dma_start3A] : memref<2x10240x128xf32, #tpu.memory_space<hbm>> -> memref<1x128x128xf32, #tpu.memory_space<hbm>>
      %dma_start3A_30 = tpu.memref_squeeze %dma_start3A_29 : memref<1x128x128xf32, #tpu.memory_space<hbm>> -> memref<128x128xf32, #tpu.memory_space<hbm>>
      %dma_start3A_31 = arith.constant 0 : i32
      %dma_start3A_32 = tpu.memref_slice %arg7[%add3A_28, %dma_start3A_31] : memref<10240x128xf32, #tpu.memory_space<vmem_shared>> -> memref<128x128xf32, #tpu.memory_space<vmem_shared>>
      tpu.enqueue_dma source(%dma_start3A_32 : memref<128x128xf32, #tpu.memory_space<vmem_shared>>) target(%dma_start3A_30 : memref<128x128xf32, #tpu.memory_space<hbm>>) target_semaphore(%run_scoped3A : memref<!tpu.dma_semaphore, #tpu.memory_space<semaphore_mem>>)
      %dma_wait3A = arith.constant 0 : i32
      %dma_wait3A_33 = tpu.memref_slice %arg6[%arg0, %add3A_28, %dma_wait3A] : memref<2x10240x128xf32, #tpu.memory_space<hbm>> -> memref<1x128x128xf32, #tpu.memory_space<hbm>>
      %dma_wait3A_34 = tpu.memref_squeeze %dma_wait3A_33 : memref<1x128x128xf32, #tpu.memory_space<hbm>> -> memref<128x128xf32, #tpu.memory_space<hbm>>
      %dma_wait3A_35 = arith.constant 0 : i32
      %dma_wait3A_36 = tpu.memref_slice %arg7[%add3A_28, %dma_wait3A_35] : memref<10240x128xf32, #tpu.memory_space<vmem_shared>> -> memref<128x128xf32, #tpu.memory_space<vmem_shared>>
      tpu.wait_dma2 semaphore(%run_scoped3A : memref<!tpu.dma_semaphore, #tpu.memory_space<semaphore_mem>>) src(%dma_wait3A_36 : memref<128x128xf32, #tpu.memory_space<vmem_shared>>) dst(%dma_wait3A_34 : memref<128x128xf32, #tpu.memory_space<hbm>>)
      tpu.yield
    }) : () -> ()
    return
  }
}

module attributes {stable_mosaic.version = 14 : i64} {
  func.func @body(%arg0: i32, %arg1: memref<1000x128xf32, #tpu.memory_space<vmem>>, %arg2: memref<128x128xf32, #tpu.memory_space<vmem>>, %arg3: memref<1000x128xf32, #tpu.memory_space<vmem>>) attributes {dimension_semantics = [#tpu.dimension_semantics<arbitrary>], iteration_bounds = array<i64: 320>, scalar_prefetch = 0 : i64, scratch_operands = 0 : i64, tpu.core_type = #tpu.core_type<tc>, window_params = [{transform_indices = @transform_0, window_bounds = array<i64: 1000, 128>}, {pipeline_mode = #tpu.pipeline_mode<synchronous>, transform_indices = @transform_1, window_bounds = array<i64: 128, 128>}, {transform_indices = @transform_2, window_bounds = array<i64: 1000, 128>}]} {
    %get3A = arith.constant 0 : index
    %get3A_0 = arith.constant 0 : index
    %get3A_1 = vector.load %arg1[%get3A, %get3A_0] : memref<1000x128xf32, #tpu.memory_space<vmem>>, vector<1000x128xf32>
    %get3A_2 = arith.constant 0 : index
    %get3A_3 = arith.constant 0 : index
    %get3A_4 = vector.load %arg2[%get3A_2, %get3A_3] : memref<128x128xf32, #tpu.memory_space<vmem>>, vector<128x128xf32>
    %dot_general3A = arith.constant dense<0.000000e+00> : vector<1000x128xf32>
    %dot_general3A_5 = tpu.matmul %get3A_1, %get3A_4, %dot_general3A {dimension_numbers = #tpu.dot_dimension_numbers<[1], [0], [0], [1], [0, 0, 1, 1], [], []>, transpose_lhs_hint = false} : vector<1000x128xf32>, vector<128x128xf32>, vector<1000x128xf32> -> vector<1000x128xf32>
    %swap3A = arith.constant 0 : index
    %swap3A_6 = arith.constant 0 : index
    %swap3A_7 = vector.load %arg3[%swap3A, %swap3A_6] : memref<1000x128xf32, #tpu.memory_space<vmem>>, vector<1000x128xf32>
    tpu.vector_store %arg3[%swap3A, %swap3A_6], %dot_general3A_5 {strides = array<i32>} : memref<1000x128xf32, #tpu.memory_space<vmem>>, vector<1000x128xf32>,
    return
  }
  func.func @transform_0(%arg0: i32) -> (i32, i32) {
    %c0_i32 = arith.constant 0 : i32
    %c0_i32_0 = arith.constant 0 : i32
    return %arg0, %c0_i32 : i32, i32
  }
  func.func @transform_1(%arg0: i32) -> (i32, i32) {
    %c0_i32 = arith.constant 0 : i32
    %c0_i32_0 = arith.constant 0 : i32
    %c0_i32_1 = arith.constant 0 : i32
    return %c0_i32, %c0_i32_0 : i32, i32
  }
  func.func @transform_2(%arg0: i32) -> (i32, i32) {
    %c0_i32 = arith.constant 0 : i32
    %c0_i32_0 = arith.constant 0 : i32
    return %arg0, %c0_i32 : i32, i32
  }
}

module attributes {stable_mosaic.version = 14 : i64} {
  func.func @body(%arg0: i32, %arg1: memref<1000x128xf32, #tpu.memory_space<vmem>>, %arg2: memref<128x128xf32, #tpu.memory_space<vmem>>, %arg3: memref<1000x128xf32, #tpu.memory_space<vmem>>) attributes {dimension_semantics = [#tpu.dimension_semantics<arbitrary>], iteration_bounds = array<i64: 10>, scalar_prefetch = 0 : i64, scratch_operands = 0 : i64, tpu.core_type = #tpu.core_type<tc>, window_params = [{transform_indices = @transform_0, window_bounds = array<i64: 1000, 128>}, {pipeline_mode = #tpu.pipeline_mode<synchronous>, transform_indices = @transform_1, window_bounds = array<i64: 128, 128>}, {transform_indices = @transform_2, window_bounds = array<i64: 1000, 128>}]} {
    %get3A = arith.constant 0 : index
    %get3A_0 = arith.constant 0 : index
    %get3A_1 = vector.load %arg1[%get3A, %get3A_0] : memref<1000x128xf32, #tpu.memory_space<vmem>>, vector<1000x128xf32>
    %get3A_2 = arith.constant 0 : index
    %get3A_3 = arith.constant 0 : index
    %get3A_4 = vector.load %arg2[%get3A_2, %get3A_3] : memref<128x128xf32, #tpu.memory_space<vmem>>, vector<128x128xf32>
    %dot_general3A = arith.constant dense<0.000000e+00> : vector<1000x128xf32>
    %dot_general3A_5 = tpu.matmul %get3A_1, %get3A_4, %dot_general3A {dimension_numbers = #tpu.dot_dimension_numbers<[1], [0], [0], [1], [0, 0, 1, 1], [], []>, transpose_lhs_hint = false} : vector<1000x128xf32>, vector<128x128xf32>, vector<1000x128xf32> -> vector<1000x128xf32>
    %swap3A = arith.constant 0 : index
    %swap3A_6 = arith.constant 0 : index
    %swap3A_7 = vector.load %arg3[%swap3A, %swap3A_6] : memref<1000x128xf32, #tpu.memory_space<vmem>>, vector<1000x128xf32>
    tpu.vector_store %arg3[%swap3A, %swap3A_6], %dot_general3A_5 {strides = array<i32>} : memref<1000x128xf32, #tpu.memory_space<vmem>>, vector<1000x128xf32>,
    return
  }
  func.func @transform_0(%arg0: i32) -> (i32, i32) {
    %c0_i32 = arith.constant 0 : i32
    %c0_i32_0 = arith.constant 0 : i32
    return %arg0, %c0_i32 : i32, i32
  }
  func.func @transform_1(%arg0: i32) -> (i32, i32) {
    %c0_i32 = arith.constant 0 : i32
    %c0_i32_0 = arith.constant 0 : i32
    %c0_i32_1 = arith.constant 0 : i32
    return %c0_i32, %c0_i32_0 : i32, i32
  }
  func.func @transform_2(%arg0: i32) -> (i32, i32) {
    %c0_i32 = arith.constant 0 : i32
    %c0_i32_0 = arith.constant 0 : i32
    return %arg0, %c0_i32 : i32, i32
  }
}

module attributes {stable_mosaic.version = 14 : i64} {
  func.func @body(%arg0: i32, %arg1: memref<272x128xf32, #tpu.memory_space<vmem>>, %arg2: memref<128x128xf32, #tpu.memory_space<vmem>>, %arg3: memref<272x128xf32, #tpu.memory_space<vmem>>) attributes {dimension_semantics = [#tpu.dimension_semantics<arbitrary>], iteration_bounds = array<i64: 1>, scalar_prefetch = 0 : i64, scratch_operands = 0 : i64, tpu.core_type = #tpu.core_type<tc>, window_params = [{transform_indices = @transform_0, window_bounds = array<i64: 272, 128>}, {pipeline_mode = #tpu.pipeline_mode<synchronous>, transform_indices = @transform_1, window_bounds = array<i64: 128, 128>}, {transform_indices = @transform_2, window_bounds = array<i64: 272, 128>}]} {
    %get3A = arith.constant 0 : index
    %get3A_0 = arith.constant 0 : index
    %get3A_1 = vector.load %arg1[%get3A, %get3A_0] : memref<272x128xf32, #tpu.memory_space<vmem>>, vector<272x128xf32>
    %get3A_2 = arith.constant 0 : index
    %get3A_3 = arith.constant 0 : index
    %get3A_4 = vector.load %arg2[%get3A_2, %get3A_3] : memref<128x128xf32, #tpu.memory_space<vmem>>, vector<128x128xf32>
    %dot_general3A = arith.constant dense<0.000000e+00> : vector<272x128xf32>
    %dot_general3A_5 = tpu.matmul %get3A_1, %get3A_4, %dot_general3A {dimension_numbers = #tpu.dot_dimension_numbers<[1], [0], [0], [1], [0, 0, 1, 1], [], []>, transpose_lhs_hint = false} : vector<272x128xf32>, vector<128x128xf32>, vector<272x128xf32> -> vector<272x128xf32>
    %swap3A = arith.constant 0 : index
    %swap3A_6 = arith.constant 0 : index
    %swap3A_7 = vector.load %arg3[%swap3A, %swap3A_6] : memref<272x128xf32, #tpu.memory_space<vmem>>, vector<272x128xf32>
    tpu.vector_store %arg3[%swap3A, %swap3A_6], %dot_general3A_5 {strides = array<i32>} : memref<272x128xf32, #tpu.memory_space<vmem>>, vector<272x128xf32>,
    return
  }
  func.func @transform_0(%arg0: i32) -> (i32, i32) {
    %c0_i32 = arith.constant 0 : i32
    %c0_i32_0 = arith.constant 0 : i32
    return %arg0, %c0_i32 : i32, i32
  }
  func.func @transform_1(%arg0: i32) -> (i32, i32) {
    %c0_i32 = arith.constant 0 : i32
    %c0_i32_0 = arith.constant 0 : i32
    %c0_i32_1 = arith.constant 0 : i32
    return %c0_i32, %c0_i32_0 : i32, i32
  }
  func.func @transform_2(%arg0: i32) -> (i32, i32) {
    %c0_i32 = arith.constant 0 : i32
    %c0_i32_0 = arith.constant 0 : i32
    return %arg0, %c0_i32 : i32, i32
  }
}

module attributes {stable_mosaic.version = 14 : i64} {
  func.func @body(%arg0: i32, %arg1: memref<1000x128xf32, #tpu.memory_space<vmem>>, %arg2: memref<1000x128xf32, #tpu.memory_space<vmem>>, %arg3: memref<1000x128xf32, #tpu.memory_space<vmem>>, %arg4: memref<1000x128xf32, #tpu.memory_space<vmem>>, %arg5: memref<1000x128xf32, #tpu.memory_space<vmem>>, %arg6: memref<128x128xf32, #tpu.memory_space<vmem>>, %arg7: memref<128x128xf32, #tpu.memory_space<vmem>>, %arg8: memref<16x128xf32, #tpu.memory_space<vmem>>, %arg9: memref<1x128xf32, #tpu.memory_space<vmem>>, %arg10: memref<128x384xf32, #tpu.memory_space<vmem>>, %arg11: memref<128x384xf32, #tpu.memory_space<vmem>>, %arg12: memref<1x384xf32, #tpu.memory_space<vmem>>, %arg13: memref<1x384xf32, #tpu.memory_space<vmem>>, %arg14: memref<1000x128xf32, #tpu.memory_space<vmem>>) attributes {dimension_semantics = [#tpu.dimension_semantics<arbitrary>], iteration_bounds = array<i64: 10>, scalar_prefetch = 0 : i64, scratch_operands = 0 : i64, tpu.core_type = #tpu.core_type<tc>, window_params = [{transform_indices = @transform_0, window_bounds = array<i64: 1000, 128>}, {transform_indices = @transform_1, window_bounds = array<i64: 1000, 128>}, {transform_indices = @transform_2, window_bounds = array<i64: 1000, 128>}, {transform_indices = @transform_3, window_bounds = array<i64: 1000, 128>}, {transform_indices = @transform_4, window_bounds = array<i64: 1000, 128>}, {pipeline_mode = #tpu.pipeline_mode<synchronous>, transform_indices = @transform_5, window_bounds = array<i64: 128, 128>}, {pipeline_mode = #tpu.pipeline_mode<synchronous>, transform_indices = @transform_6, window_bounds = array<i64: 128, 128>}, {pipeline_mode = #tpu.pipeline_mode<synchronous>, transform_indices = @transform_7, window_bounds = array<i64: 16, 128>}, {pipeline_mode = #tpu.pipeline_mode<synchronous>, transform_indices = @transform_8, window_bounds = array<i64: 1, 128>}, {pipeline_mode = #tpu.pipeline_mode<synchronous>, transform_indices = @transform_9, window_bounds = array<i64: 128, 384>}, {pipeline_mode = #tpu.pipeline_mode<synchronous>, transform_indices = @transform_10, window_bounds = array<i64: 128, 384>}, {pipeline_mode = #tpu.pipeline_mode<synchronous>, transform_indices = @transform_11, window_bounds = array<i64: 1, 384>}, {pipeline_mode = #tpu.pipeline_mode<synchronous>, transform_indices = @transform_12, window_bounds = array<i64: 1, 384>}, {transform_indices = @transform_13, window_bounds = array<i64: 1000, 128>}]} {
    %get3A = arith.constant 0 : index
    %get3A_0 = arith.constant 0 : index
    %get3A_1 = vector.load %arg1[%get3A, %get3A_0] : memref<1000x128xf32, #tpu.memory_space<vmem>>, vector<1000x128xf32>
    %get3A_2 = arith.constant 0 : index
    %get3A_3 = arith.constant 0 : index
    %get3A_4 = vector.load %arg2[%get3A_2, %get3A_3] : memref<1000x128xf32, #tpu.memory_space<vmem>>, vector<1000x128xf32>
    %get3A_5 = arith.constant 0 : index
    %get3A_6 = arith.constant 0 : index
    %get3A_7 = vector.load %arg3[%get3A_5, %get3A_6] : memref<1000x128xf32, #tpu.memory_space<vmem>>, vector<1000x128xf32>
    %add3A = arith.addf %get3A_4, %get3A_7 : vector<1000x128xf32>
    %get3A_8 = arith.constant 0 : index
    %get3A_9 = arith.constant 0 : index
    %get3A_10 = vector.load %arg4[%get3A_8, %get3A_9] : memref<1000x128xf32, #tpu.memory_space<vmem>>, vector<1000x128xf32>
    %get3A_11 = arith.constant 0 : index
    %get3A_12 = arith.constant 0 : index
    %get3A_13 = vector.load %arg5[%get3A_11, %get3A_12] : memref<1000x128xf32, #tpu.memory_space<vmem>>, vector<1000x128xf32>
    %add3A_14 = arith.addf %get3A_10, %get3A_13 : vector<1000x128xf32>
    %slice3A = vector.extract_strided_slice %add3A_14 {offsets = [0, 0], sizes = [1000, 16], strides = [1, 1]} : vector<1000x128xf32> to vector<1000x16xf32>
    %slice3A_15 = vector.extract_strided_slice %add3A_14 {offsets = [0, 16], sizes = [1000, 1], strides = [1, 1]} : vector<1000x128xf32> to vector<1000x1xf32>
    %get3A_16 = arith.constant 0 : index
    %get3A_17 = arith.constant 0 : index
    %get3A_18 = vector.load %arg6[%get3A_16, %get3A_17] : memref<128x128xf32, #tpu.memory_space<vmem>>, vector<128x128xf32>
    %bitcast_convert_type3A = tpu.bitcast %add3A : vector<1000x128xf32> -> vector<1000x128xi32>
    %shift_right_logical3A = arith.constant 16 : i32
    %shift_right_logical3A_19 = vector.broadcast %shift_right_logical3A : i32 to vector<1000x128xi32>
    %shift_right_logical3A_20 = arith.shrui %bitcast_convert_type3A, %shift_right_logical3A_19 : vector<1000x128xi32>
    %and3A = arith.constant 1 : i32
    %and3A_21 = vector.broadcast %and3A : i32 to vector<1000x128xi32>
    %and3A_22 = arith.andi %shift_right_logical3A_20, %and3A_21 : vector<1000x128xi32>
    %add3A_23 = arith.constant 32767 : i32
    %add3A_24 = vector.broadcast %add3A_23 : i32 to vector<1000x128xi32>
    %add3A_25 = arith.addi %bitcast_convert_type3A, %add3A_24 : vector<1000x128xi32>
    %add3A_26 = arith.addi %add3A_25, %and3A_22 : vector<1000x128xi32>
    %and3A_27 = arith.constant -65536 : i32
    %and3A_28 = vector.broadcast %and3A_27 : i32 to vector<1000x128xi32>
    %and3A_29 = arith.andi %add3A_26, %and3A_28 : vector<1000x128xi32>
    %bitcast_convert_type3A_30 = tpu.bitcast %and3A_29 : vector<1000x128xi32> -> vector<1000x128xf32>
    %sub3A = arith.subf %add3A, %bitcast_convert_type3A_30 : vector<1000x128xf32>
    %bitcast_convert_type3A_31 = tpu.bitcast %sub3A : vector<1000x128xf32> -> vector<1000x128xi32>
    %shift_right_logical3A_32 = arith.constant 16 : i32
    %shift_right_logical3A_33 = vector.broadcast %shift_right_logical3A_32 : i32 to vector<1000x128xi32>
    %shift_right_logical3A_34 = arith.shrui %bitcast_convert_type3A_31, %shift_right_logical3A_33 : vector<1000x128xi32>
    %and3A_35 = arith.constant 1 : i32
    %and3A_36 = vector.broadcast %and3A_35 : i32 to vector<1000x128xi32>
    %and3A_37 = arith.andi %shift_right_logical3A_34, %and3A_36 : vector<1000x128xi32>
    %add3A_38 = arith.constant 32767 : i32
    %add3A_39 = vector.broadcast %add3A_38 : i32 to vector<1000x128xi32>
    %add3A_40 = arith.addi %bitcast_convert_type3A_31, %add3A_39 : vector<1000x128xi32>
    %add3A_41 = arith.addi %add3A_40, %and3A_37 : vector<1000x128xi32>
    %and3A_42 = arith.constant -65536 : i32
    %and3A_43 = vector.broadcast %and3A_42 : i32 to vector<1000x128xi32>
    %and3A_44 = arith.andi %add3A_41, %and3A_43 : vector<1000x128xi32>
    %bitcast_convert_type3A_45 = tpu.bitcast %and3A_44 : vector<1000x128xi32> -> vector<1000x128xf32>
    %sub3A_46 = arith.subf %add3A, %bitcast_convert_type3A_30 : vector<1000x128xf32>
    %sub3A_47 = arith.subf %sub3A_46, %bitcast_convert_type3A_45 : vector<1000x128xf32>
    %bitcast_convert_type3A_48 = tpu.bitcast %sub3A_47 : vector<1000x128xf32> -> vector<1000x128xi32>
    %shift_right_logical3A_49 = arith.constant 16 : i32
    %shift_right_logical3A_50 = vector.broadcast %shift_right_logical3A_49 : i32 to vector<1000x128xi32>
    %shift_right_logical3A_51 = arith.shrui %bitcast_convert_type3A_48, %shift_right_logical3A_50 : vector<1000x128xi32>
    %and3A_52 = arith.constant 1 : i32
    %and3A_53 = vector.broadcast %and3A_52 : i32 to vector<1000x128xi32>
    %and3A_54 = arith.andi %shift_right_logical3A_51, %and3A_53 : vector<1000x128xi32>
    %add3A_55 = arith.constant 32767 : i32
    %add3A_56 = vector.broadcast %add3A_55 : i32 to vector<1000x128xi32>
    %add3A_57 = arith.addi %bitcast_convert_type3A_48, %add3A_56 : vector<1000x128xi32>
    %add3A_58 = arith.addi %add3A_57, %and3A_54 : vector<1000x128xi32>
    %and3A_59 = arith.constant -65536 : i32
    %and3A_60 = vector.broadcast %and3A_59 : i32 to vector<1000x128xi32>
    %and3A_61 = arith.andi %add3A_58, %and3A_60 : vector<1000x128xi32>
    %bitcast_convert_type3A_62 = tpu.bitcast %and3A_61 : vector<1000x128xi32> -> vector<1000x128xf32>
    %convert_element_type3A = arith.truncf %bitcast_convert_type3A_30 : vector<1000x128xf32> to vector<1000x128xbf16>
    %convert_element_type3A_63 = arith.truncf %get3A_18 : vector<128x128xf32> to vector<128x128xbf16>
    %dot_general3A = arith.constant dense<0.000000e+00> : vector<1000x128xf32>
    %dot_general3A_64 = tpu.matmul %convert_element_type3A, %convert_element_type3A_63, %dot_general3A {dimension_numbers = #tpu.dot_dimension_numbers<[1], [0], [0], [1], [0, 0, 1, 1], [], []>, transpose_lhs_hint = false} : vector<1000x128xbf16>, vector<128x128xbf16>, vector<1000x128xf32> -> vector<1000x128xf32>
    %convert_element_type3A_65 = arith.truncf %bitcast_convert_type3A_45 : vector<1000x128xf32> to vector<1000x128xbf16>
    %convert_element_type3A_66 = arith.truncf %get3A_18 : vector<128x128xf32> to vector<128x128xbf16>
    %dot_general3A_67 = arith.constant dense<0.000000e+00> : vector<1000x128xf32>
    %dot_general3A_68 = tpu.matmul %convert_element_type3A_65, %convert_element_type3A_66, %dot_general3A_67 {dimension_numbers = #tpu.dot_dimension_numbers<[1], [0], [0], [1], [0, 0, 1, 1], [], []>, transpose_lhs_hint = false} : vector<1000x128xbf16>, vector<128x128xbf16>, vector<1000x128xf32> -> vector<1000x128xf32>
    %add3A_69 = arith.addf %dot_general3A_64, %dot_general3A_68 : vector<1000x128xf32>
    %convert_element_type3A_70 = arith.truncf %bitcast_convert_type3A_62 : vector<1000x128xf32> to vector<1000x128xbf16>
    %convert_element_type3A_71 = arith.truncf %get3A_18 : vector<128x128xf32> to vector<128x128xbf16>
    %dot_general3A_72 = arith.constant dense<0.000000e+00> : vector<1000x128xf32>
    %dot_general3A_73 = tpu.matmul %convert_element_type3A_70, %convert_element_type3A_71, %dot_general3A_72 {dimension_numbers = #tpu.dot_dimension_numbers<[1], [0], [0], [1], [0, 0, 1, 1], [], []>, transpose_lhs_hint = false} : vector<1000x128xbf16>, vector<128x128xbf16>, vector<1000x128xf32> -> vector<1000x128xf32>
    %add3A_74 = arith.addf %add3A_69, %dot_general3A_73 : vector<1000x128xf32>
    %get3A_75 = arith.constant 0 : index
    %get3A_76 = arith.constant 0 : index
    %get3A_77 = vector.load %arg7[%get3A_75, %get3A_76] : memref<128x128xf32, #tpu.memory_space<vmem>>, vector<128x128xf32>
    %dot_general3A_78 = arith.constant dense<0.000000e+00> : vector<1000x128xf32>
    %dot_general3A_79 = tpu.matmul %get3A_1, %get3A_77, %dot_general3A_78 {dimension_numbers = #tpu.dot_dimension_numbers<[1], [0], [0], [1], [0, 0, 1, 1], [], []>, transpose_lhs_hint = false} : vector<1000x128xf32>, vector<128x128xf32>, vector<1000x128xf32> -> vector<1000x128xf32>
    %mul3A = vector.broadcast %slice3A_15 : vector<1000x1xf32> to vector<1000x128xf32>
    %mul3A_80 = arith.mulf %mul3A, %dot_general3A_79 : vector<1000x128xf32>
    %add3A_81 = arith.addf %add3A_74, %mul3A_80 : vector<1000x128xf32>
    %get3A_82 = arith.constant 0 : index
    %get3A_83 = arith.constant 0 : index
    %get3A_84 = vector.load %arg8[%get3A_82, %get3A_83] : memref<16x128xf32, #tpu.memory_space<vmem>>, vector<16x128xf32>
    %bitcast_convert_type3A_85 = tpu.bitcast %slice3A : vector<1000x16xf32> -> vector<1000x16xi32>
    %shift_right_logical3A_86 = arith.constant 16 : i32
    %shift_right_logical3A_87 = vector.broadcast %shift_right_logical3A_86 : i32 to vector<1000x16xi32>
    %shift_right_logical3A_88 = arith.shrui %bitcast_convert_type3A_85, %shift_right_logical3A_87 : vector<1000x16xi32>
    %and3A_89 = arith.constant 1 : i32
    %and3A_90 = vector.broadcast %and3A_89 : i32 to vector<1000x16xi32>
    %and3A_91 = arith.andi %shift_right_logical3A_88, %and3A_90 : vector<1000x16xi32>
    %add3A_92 = arith.constant 32767 : i32
    %add3A_93 = vector.broadcast %add3A_92 : i32 to vector<1000x16xi32>
    %add3A_94 = arith.addi %bitcast_convert_type3A_85, %add3A_93 : vector<1000x16xi32>
    %add3A_95 = arith.addi %add3A_94, %and3A_91 : vector<1000x16xi32>
    %and3A_96 = arith.constant -65536 : i32
    %and3A_97 = vector.broadcast %and3A_96 : i32 to vector<1000x16xi32>
    %and3A_98 = arith.andi %add3A_95, %and3A_97 : vector<1000x16xi32>
    %bitcast_convert_type3A_99 = tpu.bitcast %and3A_98 : vector<1000x16xi32> -> vector<1000x16xf32>
    %sub3A_100 = arith.subf %slice3A, %bitcast_convert_type3A_99 : vector<1000x16xf32>
    %bitcast_convert_type3A_101 = tpu.bitcast %sub3A_100 : vector<1000x16xf32> -> vector<1000x16xi32>
    %shift_right_logical3A_102 = arith.constant 16 : i32
    %shift_right_logical3A_103 = vector.broadcast %shift_right_logical3A_102 : i32 to vector<1000x16xi32>
    %shift_right_logical3A_104 = arith.shrui %bitcast_convert_type3A_101, %shift_right_logical3A_103 : vector<1000x16xi32>
    %and3A_105 = arith.constant 1 : i32
    %and3A_106 = vector.broadcast %and3A_105 : i32 to vector<1000x16xi32>
    %and3A_107 = arith.andi %shift_right_logical3A_104, %and3A_106 : vector<1000x16xi32>
    %add3A_108 = arith.constant 32767 : i32
    %add3A_109 = vector.broadcast %add3A_108 : i32 to vector<1000x16xi32>
    %add3A_110 = arith.addi %bitcast_convert_type3A_101, %add3A_109 : vector<1000x16xi32>
    %add3A_111 = arith.addi %add3A_110, %and3A_107 : vector<1000x16xi32>
    %and3A_112 = arith.constant -65536 : i32
    %and3A_113 = vector.broadcast %and3A_112 : i32 to vector<1000x16xi32>
    %and3A_114 = arith.andi %add3A_111, %and3A_113 : vector<1000x16xi32>
    %bitcast_convert_type3A_115 = tpu.bitcast %and3A_114 : vector<1000x16xi32> -> vector<1000x16xf32>
    %sub3A_116 = arith.subf %slice3A, %bitcast_convert_type3A_99 : vector<1000x16xf32>
    %sub3A_117 = arith.subf %sub3A_116, %bitcast_convert_type3A_115 : vector<1000x16xf32>
    %bitcast_convert_type3A_118 = tpu.bitcast %sub3A_117 : vector<1000x16xf32> -> vector<1000x16xi32>
    %shift_right_logical3A_119 = arith.constant 16 : i32
    %shift_right_logical3A_120 = vector.broadcast %shift_right_logical3A_119 : i32 to vector<1000x16xi32>
    %shift_right_logical3A_121 = arith.shrui %bitcast_convert_type3A_118, %shift_right_logical3A_120 : vector<1000x16xi32>
    %and3A_122 = arith.constant 1 : i32
    %and3A_123 = vector.broadcast %and3A_122 : i32 to vector<1000x16xi32>
    %and3A_124 = arith.andi %shift_right_logical3A_121, %and3A_123 : vector<1000x16xi32>
    %add3A_125 = arith.constant 32767 : i32
    %add3A_126 = vector.broadcast %add3A_125 : i32 to vector<1000x16xi32>
    %add3A_127 = arith.addi %bitcast_convert_type3A_118, %add3A_126 : vector<1000x16xi32>
    %add3A_128 = arith.addi %add3A_127, %and3A_124 : vector<1000x16xi32>
    %and3A_129 = arith.constant -65536 : i32
    %and3A_130 = vector.broadcast %and3A_129 : i32 to vector<1000x16xi32>
    %and3A_131 = arith.andi %add3A_128, %and3A_130 : vector<1000x16xi32>
    %bitcast_convert_type3A_132 = tpu.bitcast %and3A_131 : vector<1000x16xi32> -> vector<1000x16xf32>
    %convert_element_type3A_133 = arith.truncf %bitcast_convert_type3A_99 : vector<1000x16xf32> to vector<1000x16xbf16>
    %convert_element_type3A_134 = arith.truncf %get3A_84 : vector<16x128xf32> to vector<16x128xbf16>
    %dot_general3A_135 = arith.constant dense<0.000000e+00> : vector<1000x128xf32>
    %dot_general3A_136 = tpu.matmul %convert_element_type3A_133, %convert_element_type3A_134, %dot_general3A_135 {dimension_numbers = #tpu.dot_dimension_numbers<[1], [0], [0], [1], [0, 0, 1, 1], [], []>, transpose_lhs_hint = false} : vector<1000x16xbf16>, vector<16x128xbf16>, vector<1000x128xf32> -> vector<1000x128xf32>
    %convert_element_type3A_137 = arith.truncf %bitcast_convert_type3A_115 : vector<1000x16xf32> to vector<1000x16xbf16>
    %convert_element_type3A_138 = arith.truncf %get3A_84 : vector<16x128xf32> to vector<16x128xbf16>
    %dot_general3A_139 = arith.constant dense<0.000000e+00> : vector<1000x128xf32>
    %dot_general3A_140 = tpu.matmul %convert_element_type3A_137, %convert_element_type3A_138, %dot_general3A_139 {dimension_numbers = #tpu.dot_dimension_numbers<[1], [0], [0], [1], [0, 0, 1, 1], [], []>, transpose_lhs_hint = false} : vector<1000x16xbf16>, vector<16x128xbf16>, vector<1000x128xf32> -> vector<1000x128xf32>
    %add3A_141 = arith.addf %dot_general3A_136, %dot_general3A_140 : vector<1000x128xf32>
    %convert_element_type3A_142 = arith.truncf %bitcast_convert_type3A_132 : vector<1000x16xf32> to vector<1000x16xbf16>
    %convert_element_type3A_143 = arith.truncf %get3A_84 : vector<16x128xf32> to vector<16x128xbf16>
    %dot_general3A_144 = arith.constant dense<0.000000e+00> : vector<1000x128xf32>
    %dot_general3A_145 = tpu.matmul %convert_element_type3A_142, %convert_element_type3A_143, %dot_general3A_144 {dimension_numbers = #tpu.dot_dimension_numbers<[1], [0], [0], [1], [0, 0, 1, 1], [], []>, transpose_lhs_hint = false} : vector<1000x16xbf16>, vector<16x128xbf16>, vector<1000x128xf32> -> vector<1000x128xf32>
    %add3A_146 = arith.addf %add3A_141, %dot_general3A_145 : vector<1000x128xf32>
    %add3A_147 = arith.addf %add3A_81, %add3A_146 : vector<1000x128xf32>
    %get3A_148 = arith.constant 0 : index
    %get3A_149 = arith.constant 0 : index
    %get3A_150 = vector.load %arg9[%get3A_148, %get3A_149] : memref<1x128xf32, #tpu.memory_space<vmem>>, vector<1x128xf32>
    %mul3A_151 = vector.broadcast %slice3A_15 : vector<1000x1xf32> to vector<1000x128xf32>
    %mul3A_152 = vector.broadcast %get3A_150 : vector<1x128xf32> to vector<1000x128xf32>
    %mul3A_153 = arith.mulf %mul3A_151, %mul3A_152 : vector<1000x128xf32>
    %add3A_154 = arith.addf %add3A_147, %mul3A_153 : vector<1000x128xf32>
    %get3A_155 = arith.constant 0 : index
    %get3A_156 = arith.constant 0 : index
    %get3A_157 = vector.load %arg10[%get3A_155, %get3A_156] : memref<128x384xf32, #tpu.memory_space<vmem>>, vector<128x384xf32>
    %dot_general3A_158 = arith.constant dense<0.000000e+00> : vector<1000x384xf32>
    %dot_general3A_159 = tpu.matmul %add3A_154, %get3A_157, %dot_general3A_158 {dimension_numbers = #tpu.dot_dimension_numbers<[1], [0], [0], [1], [0, 0, 1, 1], [], []>, transpose_lhs_hint = false} : vector<1000x128xf32>, vector<128x384xf32>, vector<1000x384xf32> -> vector<1000x384xf32>
    %get3A_160 = arith.constant 0 : index
    %get3A_161 = arith.constant 0 : index
    %get3A_162 = vector.load %arg12[%get3A_160, %get3A_161] : memref<1x384xf32, #tpu.memory_space<vmem>>, vector<1x384xf32>
    %add3A_163 = vector.broadcast %get3A_162 : vector<1x384xf32> to vector<1000x384xf32>
    %add3A_164 = arith.addf %dot_general3A_159, %add3A_163 : vector<1000x384xf32>
    %get3A_165 = arith.constant 0 : index
    %get3A_166 = arith.constant 0 : index
    %get3A_167 = vector.load %arg11[%get3A_165, %get3A_166] : memref<128x384xf32, #tpu.memory_space<vmem>>, vector<128x384xf32>
    %dot_general3A_168 = arith.constant dense<0.000000e+00> : vector<1000x384xf32>
    %dot_general3A_169 = tpu.matmul %get3A_1, %get3A_167, %dot_general3A_168 {dimension_numbers = #tpu.dot_dimension_numbers<[1], [0], [0], [1], [0, 0, 1, 1], [], []>, transpose_lhs_hint = false} : vector<1000x128xf32>, vector<128x384xf32>, vector<1000x384xf32> -> vector<1000x384xf32>
    %get3A_170 = arith.constant 0 : index
    %get3A_171 = arith.constant 0 : index
    %get3A_172 = vector.load %arg13[%get3A_170, %get3A_171] : memref<1x384xf32, #tpu.memory_space<vmem>>, vector<1x384xf32>
    %add3A_173 = vector.broadcast %get3A_172 : vector<1x384xf32> to vector<1000x384xf32>
    %add3A_174 = arith.addf %dot_general3A_169, %add3A_173 : vector<1000x384xf32>
    %slice3A_175 = vector.extract_strided_slice %add3A_164 {offsets = [0, 0], sizes = [1000, 128], strides = [1, 1]} : vector<1000x384xf32> to vector<1000x128xf32>
    %slice3A_176 = vector.extract_strided_slice %add3A_174 {offsets = [0, 0], sizes = [1000, 128], strides = [1, 1]} : vector<1000x384xf32> to vector<1000x128xf32>
    %add3A_177 = arith.addf %slice3A_175, %slice3A_176 : vector<1000x128xf32>
    %logistic3A = arith.negf %add3A_177 : vector<1000x128xf32>
    %logistic3A_178 = math.exp %logistic3A : vector<1000x128xf32>
    %logistic3A_179 = arith.constant 1.000000e+00 : f32
    %logistic3A_180 = vector.broadcast %logistic3A_179 : f32 to vector<1000x128xf32>
    %logistic3A_181 = arith.addf %logistic3A_180, %logistic3A_178 : vector<1000x128xf32>
    %logistic3A_182 = arith.divf %logistic3A_180, %logistic3A_181 : vector<1000x128xf32>
    %slice3A_183 = vector.extract_strided_slice %add3A_164 {offsets = [0, 128], sizes = [1000, 128], strides = [1, 1]} : vector<1000x384xf32> to vector<1000x128xf32>
    %slice3A_184 = vector.extract_strided_slice %add3A_174 {offsets = [0, 128], sizes = [1000, 128], strides = [1, 1]} : vector<1000x384xf32> to vector<1000x128xf32>
    %add3A_185 = arith.addf %slice3A_183, %slice3A_184 : vector<1000x128xf32>
    %logistic3A_186 = arith.negf %add3A_185 : vector<1000x128xf32>
    %logistic3A_187 = math.exp %logistic3A_186 : vector<1000x128xf32>
    %logistic3A_188 = arith.constant 1.000000e+00 : f32
    %logistic3A_189 = vector.broadcast %logistic3A_188 : f32 to vector<1000x128xf32>
    %logistic3A_190 = arith.addf %logistic3A_189, %logistic3A_187 : vector<1000x128xf32>
    %logistic3A_191 = arith.divf %logistic3A_189, %logistic3A_190 : vector<1000x128xf32>
    %slice3A_192 = vector.extract_strided_slice %add3A_164 {offsets = [0, 256], sizes = [1000, 128], strides = [1, 1]} : vector<1000x384xf32> to vector<1000x128xf32>
    %slice3A_193 = vector.extract_strided_slice %add3A_174 {offsets = [0, 256], sizes = [1000, 128], strides = [1, 1]} : vector<1000x384xf32> to vector<1000x128xf32>
    %mul3A_194 = arith.mulf %logistic3A_182, %slice3A_193 : vector<1000x128xf32>
    %add3A_195 = arith.addf %slice3A_192, %mul3A_194 : vector<1000x128xf32>
    %tanh3A = math.tanh %add3A_195 : vector<1000x128xf32>
    %sub3A_196 = arith.constant 1.000000e+00 : f32
    %sub3A_197 = vector.broadcast %sub3A_196 : f32 to vector<1000x128xf32>
    %sub3A_198 = arith.subf %sub3A_197, %logistic3A_191 : vector<1000x128xf32>
    %mul3A_199 = arith.mulf %sub3A_198, %tanh3A : vector<1000x128xf32>
    %mul3A_200 = arith.mulf %logistic3A_191, %get3A_1 : vector<1000x128xf32>
    %add3A_201 = arith.addf %mul3A_199, %mul3A_200 : vector<1000x128xf32>
    %swap3A = arith.constant 0 : index
    %swap3A_202 = arith.constant 0 : index
    %swap3A_203 = vector.load %arg14[%swap3A, %swap3A_202] : memref<1000x128xf32, #tpu.memory_space<vmem>>, vector<1000x128xf32>
    tpu.vector_store %arg14[%swap3A, %swap3A_202], %add3A_201 {strides = array<i32>} : memref<1000x128xf32, #tpu.memory_space<vmem>>, vector<1000x128xf32>,
    return
  }
  func.func @transform_0(%arg0: i32) -> (i32, i32) {
    %c0_i32 = arith.constant 0 : i32
    %c0_i32_0 = arith.constant 0 : i32
    return %arg0, %c0_i32 : i32, i32
  }
  func.func @transform_1(%arg0: i32) -> (i32, i32) {
    %c0_i32 = arith.constant 0 : i32
    %c0_i32_0 = arith.constant 0 : i32
    return %arg0, %c0_i32 : i32, i32
  }
  func.func @transform_2(%arg0: i32) -> (i32, i32) {
    %c0_i32 = arith.constant 0 : i32
    %c0_i32_0 = arith.constant 0 : i32
    return %arg0, %c0_i32 : i32, i32
  }
  func.func @transform_3(%arg0: i32) -> (i32, i32) {
    %c0_i32 = arith.constant 0 : i32
    %c0_i32_0 = arith.constant 0 : i32
    return %arg0, %c0_i32 : i32, i32
  }
  func.func @transform_4(%arg0: i32) -> (i32, i32) {
    %c0_i32 = arith.constant 0 : i32
    %c0_i32_0 = arith.constant 0 : i32
    return %arg0, %c0_i32 : i32, i32
  }
  func.func @transform_5(%arg0: i32) -> (i32, i32) {
    %c0_i32 = arith.constant 0 : i32
    %c0_i32_0 = arith.constant 0 : i32
    %c0_i32_1 = arith.constant 0 : i32
    return %c0_i32, %c0_i32_0 : i32, i32
  }
  func.func @transform_6(%arg0: i32) -> (i32, i32) {
    %c0_i32 = arith.constant 0 : i32
    %c0_i32_0 = arith.constant 0 : i32
    %c0_i32_1 = arith.constant 0 : i32
    return %c0_i32, %c0_i32_0 : i32, i32
  }
  func.func @transform_7(%arg0: i32) -> (i32, i32) {
    %c0_i32 = arith.constant 0 : i32
    %c0_i32_0 = arith.constant 0 : i32
    %c0_i32_1 = arith.constant 0 : i32
    return %c0_i32, %c0_i32_0 : i32, i32
  }
  func.func @transform_8(%arg0: i32) -> (i32, i32) {
    %c0_i32 = arith.constant 0 : i32
    %c0_i32_0 = arith.constant 0 : i32
    %c0_i32_1 = arith.constant 0 : i32
    return %c0_i32, %c0_i32_0 : i32, i32
  }
  func.func @transform_9(%arg0: i32) -> (i32, i32) {
    %c0_i32 = arith.constant 0 : i32
    %c0_i32_0 = arith.constant 0 : i32
    %c0_i32_1 = arith.constant 0 : i32
    return %c0_i32, %c0_i32_0 : i32, i32
  }
  func.func @transform_10(%arg0: i32) -> (i32, i32) {
    %c0_i32 = arith.constant 0 : i32
    %c0_i32_0 = arith.constant 0 : i32
    %c0_i32_1 = arith.constant 0 : i32
    return %c0_i32, %c0_i32_0 : i32, i32
  }
  func.func @transform_11(%arg0: i32) -> (i32, i32) {
    %c0_i32 = arith.constant 0 : i32
    %c0_i32_0 = arith.constant 0 : i32
    %c0_i32_1 = arith.constant 0 : i32
    return %c0_i32, %c0_i32_0 : i32, i32
  }
  func.func @transform_12(%arg0: i32) -> (i32, i32) {
    %c0_i32 = arith.constant 0 : i32
    %c0_i32_0 = arith.constant 0 : i32
    %c0_i32_1 = arith.constant 0 : i32
    return %c0_i32, %c0_i32_0 : i32, i32
  }
  func.func @transform_13(%arg0: i32) -> (i32, i32) {
    %c0_i32 = arith.constant 0 : i32
    %c0_i32_0 = arith.constant 0 : i32
    return %arg0, %c0_i32 : i32, i32
  }
}

module attributes {stable_mosaic.version = 14 : i64} {
  func.func @body(%arg0: i32, %arg1: memref<1000x128xf32, #tpu.memory_space<vmem>>, %arg2: memref<1000x128xf32, #tpu.memory_space<vmem>>, %arg3: memref<1000x128xf32, #tpu.memory_space<vmem>>, %arg4: memref<1000x128xf32, #tpu.memory_space<vmem>>, %arg5: memref<1000x128xf32, #tpu.memory_space<vmem>>, %arg6: memref<128x128xf32, #tpu.memory_space<vmem>>, %arg7: memref<128x128xf32, #tpu.memory_space<vmem>>, %arg8: memref<16x128xf32, #tpu.memory_space<vmem>>, %arg9: memref<1x128xf32, #tpu.memory_space<vmem>>, %arg10: memref<128x384xf32, #tpu.memory_space<vmem>>, %arg11: memref<128x384xf32, #tpu.memory_space<vmem>>, %arg12: memref<1x384xf32, #tpu.memory_space<vmem>>, %arg13: memref<1x384xf32, #tpu.memory_space<vmem>>, %arg14: memref<1000x128xf32, #tpu.memory_space<vmem>>) attributes {dimension_semantics = [#tpu.dimension_semantics<arbitrary>], iteration_bounds = array<i64: 10>, scalar_prefetch = 0 : i64, scratch_operands = 0 : i64, tpu.core_type = #tpu.core_type<tc>, window_params = [{transform_indices = @transform_0, window_bounds = array<i64: 1000, 128>}, {transform_indices = @transform_1, window_bounds = array<i64: 1000, 128>}, {transform_indices = @transform_2, window_bounds = array<i64: 1000, 128>}, {transform_indices = @transform_3, window_bounds = array<i64: 1000, 128>}, {transform_indices = @transform_4, window_bounds = array<i64: 1000, 128>}, {pipeline_mode = #tpu.pipeline_mode<synchronous>, transform_indices = @transform_5, window_bounds = array<i64: 128, 128>}, {pipeline_mode = #tpu.pipeline_mode<synchronous>, transform_indices = @transform_6, window_bounds = array<i64: 128, 128>}, {pipeline_mode = #tpu.pipeline_mode<synchronous>, transform_indices = @transform_7, window_bounds = array<i64: 16, 128>}, {pipeline_mode = #tpu.pipeline_mode<synchronous>, transform_indices = @transform_8, window_bounds = array<i64: 1, 128>}, {pipeline_mode = #tpu.pipeline_mode<synchronous>, transform_indices = @transform_9, window_bounds = array<i64: 128, 384>}, {pipeline_mode = #tpu.pipeline_mode<synchronous>, transform_indices = @transform_10, window_bounds = array<i64: 128, 384>}, {pipeline_mode = #tpu.pipeline_mode<synchronous>, transform_indices = @transform_11, window_bounds = array<i64: 1, 384>}, {pipeline_mode = #tpu.pipeline_mode<synchronous>, transform_indices = @transform_12, window_bounds = array<i64: 1, 384>}, {transform_indices = @transform_13, window_bounds = array<i64: 1000, 128>}]} {
    %get3A = arith.constant 0 : index
    %get3A_0 = arith.constant 0 : index
    %get3A_1 = vector.load %arg1[%get3A, %get3A_0] : memref<1000x128xf32, #tpu.memory_space<vmem>>, vector<1000x128xf32>
    %get3A_2 = arith.constant 0 : index
    %get3A_3 = arith.constant 0 : index
    %get3A_4 = vector.load %arg2[%get3A_2, %get3A_3] : memref<1000x128xf32, #tpu.memory_space<vmem>>, vector<1000x128xf32>
    %get3A_5 = arith.constant 0 : index
    %get3A_6 = arith.constant 0 : index
    %get3A_7 = vector.load %arg3[%get3A_5, %get3A_6] : memref<1000x128xf32, #tpu.memory_space<vmem>>, vector<1000x128xf32>
    %add3A = arith.addf %get3A_4, %get3A_7 : vector<1000x128xf32>
    %get3A_8 = arith.constant 0 : index
    %get3A_9 = arith.constant 0 : index
    %get3A_10 = vector.load %arg4[%get3A_8, %get3A_9] : memref<1000x128xf32, #tpu.memory_space<vmem>>, vector<1000x128xf32>
    %get3A_11 = arith.constant 0 : index
    %get3A_12 = arith.constant 0 : index
    %get3A_13 = vector.load %arg5[%get3A_11, %get3A_12] : memref<1000x128xf32, #tpu.memory_space<vmem>>, vector<1000x128xf32>
    %add3A_14 = arith.addf %get3A_10, %get3A_13 : vector<1000x128xf32>
    %slice3A = vector.extract_strided_slice %add3A_14 {offsets = [0, 0], sizes = [1000, 16], strides = [1, 1]} : vector<1000x128xf32> to vector<1000x16xf32>
    %slice3A_15 = vector.extract_strided_slice %add3A_14 {offsets = [0, 16], sizes = [1000, 1], strides = [1, 1]} : vector<1000x128xf32> to vector<1000x1xf32>
    %get3A_16 = arith.constant 0 : index
    %get3A_17 = arith.constant 0 : index
    %get3A_18 = vector.load %arg6[%get3A_16, %get3A_17] : memref<128x128xf32, #tpu.memory_space<vmem>>, vector<128x128xf32>
    %bitcast_convert_type3A = tpu.bitcast %add3A : vector<1000x128xf32> -> vector<1000x128xi32>
    %shift_right_logical3A = arith.constant 16 : i32
    %shift_right_logical3A_19 = vector.broadcast %shift_right_logical3A : i32 to vector<1000x128xi32>
    %shift_right_logical3A_20 = arith.shrui %bitcast_convert_type3A, %shift_right_logical3A_19 : vector<1000x128xi32>
    %and3A = arith.constant 1 : i32
    %and3A_21 = vector.broadcast %and3A : i32 to vector<1000x128xi32>
    %and3A_22 = arith.andi %shift_right_logical3A_20, %and3A_21 : vector<1000x128xi32>
    %add3A_23 = arith.constant 32767 : i32
    %add3A_24 = vector.broadcast %add3A_23 : i32 to vector<1000x128xi32>
    %add3A_25 = arith.addi %bitcast_convert_type3A, %add3A_24 : vector<1000x128xi32>
    %add3A_26 = arith.addi %add3A_25, %and3A_22 : vector<1000x128xi32>
    %and3A_27 = arith.constant -65536 : i32
    %and3A_28 = vector.broadcast %and3A_27 : i32 to vector<1000x128xi32>
    %and3A_29 = arith.andi %add3A_26, %and3A_28 : vector<1000x128xi32>
    %bitcast_convert_type3A_30 = tpu.bitcast %and3A_29 : vector<1000x128xi32> -> vector<1000x128xf32>
    %sub3A = arith.subf %add3A, %bitcast_convert_type3A_30 : vector<1000x128xf32>
    %bitcast_convert_type3A_31 = tpu.bitcast %sub3A : vector<1000x128xf32> -> vector<1000x128xi32>
    %shift_right_logical3A_32 = arith.constant 16 : i32
    %shift_right_logical3A_33 = vector.broadcast %shift_right_logical3A_32 : i32 to vector<1000x128xi32>
    %shift_right_logical3A_34 = arith.shrui %bitcast_convert_type3A_31, %shift_right_logical3A_33 : vector<1000x128xi32>
    %and3A_35 = arith.constant 1 : i32
    %and3A_36 = vector.broadcast %and3A_35 : i32 to vector<1000x128xi32>
    %and3A_37 = arith.andi %shift_right_logical3A_34, %and3A_36 : vector<1000x128xi32>
    %add3A_38 = arith.constant 32767 : i32
    %add3A_39 = vector.broadcast %add3A_38 : i32 to vector<1000x128xi32>
    %add3A_40 = arith.addi %bitcast_convert_type3A_31, %add3A_39 : vector<1000x128xi32>
    %add3A_41 = arith.addi %add3A_40, %and3A_37 : vector<1000x128xi32>
    %and3A_42 = arith.constant -65536 : i32
    %and3A_43 = vector.broadcast %and3A_42 : i32 to vector<1000x128xi32>
    %and3A_44 = arith.andi %add3A_41, %and3A_43 : vector<1000x128xi32>
    %bitcast_convert_type3A_45 = tpu.bitcast %and3A_44 : vector<1000x128xi32> -> vector<1000x128xf32>
    %sub3A_46 = arith.subf %add3A, %bitcast_convert_type3A_30 : vector<1000x128xf32>
    %sub3A_47 = arith.subf %sub3A_46, %bitcast_convert_type3A_45 : vector<1000x128xf32>
    %bitcast_convert_type3A_48 = tpu.bitcast %sub3A_47 : vector<1000x128xf32> -> vector<1000x128xi32>
    %shift_right_logical3A_49 = arith.constant 16 : i32
    %shift_right_logical3A_50 = vector.broadcast %shift_right_logical3A_49 : i32 to vector<1000x128xi32>
    %shift_right_logical3A_51 = arith.shrui %bitcast_convert_type3A_48, %shift_right_logical3A_50 : vector<1000x128xi32>
    %and3A_52 = arith.constant 1 : i32
    %and3A_53 = vector.broadcast %and3A_52 : i32 to vector<1000x128xi32>
    %and3A_54 = arith.andi %shift_right_logical3A_51, %and3A_53 : vector<1000x128xi32>
    %add3A_55 = arith.constant 32767 : i32
    %add3A_56 = vector.broadcast %add3A_55 : i32 to vector<1000x128xi32>
    %add3A_57 = arith.addi %bitcast_convert_type3A_48, %add3A_56 : vector<1000x128xi32>
    %add3A_58 = arith.addi %add3A_57, %and3A_54 : vector<1000x128xi32>
    %and3A_59 = arith.constant -65536 : i32
    %and3A_60 = vector.broadcast %and3A_59 : i32 to vector<1000x128xi32>
    %and3A_61 = arith.andi %add3A_58, %and3A_60 : vector<1000x128xi32>
    %bitcast_convert_type3A_62 = tpu.bitcast %and3A_61 : vector<1000x128xi32> -> vector<1000x128xf32>
    %convert_element_type3A = arith.truncf %bitcast_convert_type3A_30 : vector<1000x128xf32> to vector<1000x128xbf16>
    %convert_element_type3A_63 = arith.truncf %get3A_18 : vector<128x128xf32> to vector<128x128xbf16>
    %dot_general3A = arith.constant dense<0.000000e+00> : vector<1000x128xf32>
    %dot_general3A_64 = tpu.matmul %convert_element_type3A, %convert_element_type3A_63, %dot_general3A {dimension_numbers = #tpu.dot_dimension_numbers<[1], [0], [0], [1], [0, 0, 1, 1], [], []>, transpose_lhs_hint = false} : vector<1000x128xbf16>, vector<128x128xbf16>, vector<1000x128xf32> -> vector<1000x128xf32>
    %convert_element_type3A_65 = arith.truncf %bitcast_convert_type3A_45 : vector<1000x128xf32> to vector<1000x128xbf16>
    %convert_element_type3A_66 = arith.truncf %get3A_18 : vector<128x128xf32> to vector<128x128xbf16>
    %dot_general3A_67 = arith.constant dense<0.000000e+00> : vector<1000x128xf32>
    %dot_general3A_68 = tpu.matmul %convert_element_type3A_65, %convert_element_type3A_66, %dot_general3A_67 {dimension_numbers = #tpu.dot_dimension_numbers<[1], [0], [0], [1], [0, 0, 1, 1], [], []>, transpose_lhs_hint = false} : vector<1000x128xbf16>, vector<128x128xbf16>, vector<1000x128xf32> -> vector<1000x128xf32>
    %add3A_69 = arith.addf %dot_general3A_64, %dot_general3A_68 : vector<1000x128xf32>
    %convert_element_type3A_70 = arith.truncf %bitcast_convert_type3A_62 : vector<1000x128xf32> to vector<1000x128xbf16>
    %convert_element_type3A_71 = arith.truncf %get3A_18 : vector<128x128xf32> to vector<128x128xbf16>
    %dot_general3A_72 = arith.constant dense<0.000000e+00> : vector<1000x128xf32>
    %dot_general3A_73 = tpu.matmul %convert_element_type3A_70, %convert_element_type3A_71, %dot_general3A_72 {dimension_numbers = #tpu.dot_dimension_numbers<[1], [0], [0], [1], [0, 0, 1, 1], [], []>, transpose_lhs_hint = false} : vector<1000x128xbf16>, vector<128x128xbf16>, vector<1000x128xf32> -> vector<1000x128xf32>
    %add3A_74 = arith.addf %add3A_69, %dot_general3A_73 : vector<1000x128xf32>
    %get3A_75 = arith.constant 0 : index
    %get3A_76 = arith.constant 0 : index
    %get3A_77 = vector.load %arg7[%get3A_75, %get3A_76] : memref<128x128xf32, #tpu.memory_space<vmem>>, vector<128x128xf32>
    %dot_general3A_78 = arith.constant dense<0.000000e+00> : vector<1000x128xf32>
    %dot_general3A_79 = tpu.matmul %get3A_1, %get3A_77, %dot_general3A_78 {dimension_numbers = #tpu.dot_dimension_numbers<[1], [0], [0], [1], [0, 0, 1, 1], [], []>, transpose_lhs_hint = false} : vector<1000x128xf32>, vector<128x128xf32>, vector<1000x128xf32> -> vector<1000x128xf32>
    %mul3A = vector.broadcast %slice3A_15 : vector<1000x1xf32> to vector<1000x128xf32>
    %mul3A_80 = arith.mulf %mul3A, %dot_general3A_79 : vector<1000x128xf32>
    %add3A_81 = arith.addf %add3A_74, %mul3A_80 : vector<1000x128xf32>
    %get3A_82 = arith.constant 0 : index
    %get3A_83 = arith.constant 0 : index
    %get3A_84 = vector.load %arg8[%get3A_82, %get3A_83] : memref<16x128xf32, #tpu.memory_space<vmem>>, vector<16x128xf32>
    %bitcast_convert_type3A_85 = tpu.bitcast %slice3A : vector<1000x16xf32> -> vector<1000x16xi32>
    %shift_right_logical3A_86 = arith.constant 16 : i32
    %shift_right_logical3A_87 = vector.broadcast %shift_right_logical3A_86 : i32 to vector<1000x16xi32>
    %shift_right_logical3A_88 = arith.shrui %bitcast_convert_type3A_85, %shift_right_logical3A_87 : vector<1000x16xi32>
    %and3A_89 = arith.constant 1 : i32
    %and3A_90 = vector.broadcast %and3A_89 : i32 to vector<1000x16xi32>
    %and3A_91 = arith.andi %shift_right_logical3A_88, %and3A_90 : vector<1000x16xi32>
    %add3A_92 = arith.constant 32767 : i32
    %add3A_93 = vector.broadcast %add3A_92 : i32 to vector<1000x16xi32>
    %add3A_94 = arith.addi %bitcast_convert_type3A_85, %add3A_93 : vector<1000x16xi32>
    %add3A_95 = arith.addi %add3A_94, %and3A_91 : vector<1000x16xi32>
    %and3A_96 = arith.constant -65536 : i32
    %and3A_97 = vector.broadcast %and3A_96 : i32 to vector<1000x16xi32>
    %and3A_98 = arith.andi %add3A_95, %and3A_97 : vector<1000x16xi32>
    %bitcast_convert_type3A_99 = tpu.bitcast %and3A_98 : vector<1000x16xi32> -> vector<1000x16xf32>
    %sub3A_100 = arith.subf %slice3A, %bitcast_convert_type3A_99 : vector<1000x16xf32>
    %bitcast_convert_type3A_101 = tpu.bitcast %sub3A_100 : vector<1000x16xf32> -> vector<1000x16xi32>
    %shift_right_logical3A_102 = arith.constant 16 : i32
    %shift_right_logical3A_103 = vector.broadcast %shift_right_logical3A_102 : i32 to vector<1000x16xi32>
    %shift_right_logical3A_104 = arith.shrui %bitcast_convert_type3A_101, %shift_right_logical3A_103 : vector<1000x16xi32>
    %and3A_105 = arith.constant 1 : i32
    %and3A_106 = vector.broadcast %and3A_105 : i32 to vector<1000x16xi32>
    %and3A_107 = arith.andi %shift_right_logical3A_104, %and3A_106 : vector<1000x16xi32>
    %add3A_108 = arith.constant 32767 : i32
    %add3A_109 = vector.broadcast %add3A_108 : i32 to vector<1000x16xi32>
    %add3A_110 = arith.addi %bitcast_convert_type3A_101, %add3A_109 : vector<1000x16xi32>
    %add3A_111 = arith.addi %add3A_110, %and3A_107 : vector<1000x16xi32>
    %and3A_112 = arith.constant -65536 : i32
    %and3A_113 = vector.broadcast %and3A_112 : i32 to vector<1000x16xi32>
    %and3A_114 = arith.andi %add3A_111, %and3A_113 : vector<1000x16xi32>
    %bitcast_convert_type3A_115 = tpu.bitcast %and3A_114 : vector<1000x16xi32> -> vector<1000x16xf32>
    %sub3A_116 = arith.subf %slice3A, %bitcast_convert_type3A_99 : vector<1000x16xf32>
    %sub3A_117 = arith.subf %sub3A_116, %bitcast_convert_type3A_115 : vector<1000x16xf32>
    %bitcast_convert_type3A_118 = tpu.bitcast %sub3A_117 : vector<1000x16xf32> -> vector<1000x16xi32>
    %shift_right_logical3A_119 = arith.constant 16 : i32
    %shift_right_logical3A_120 = vector.broadcast %shift_right_logical3A_119 : i32 to vector<1000x16xi32>
    %shift_right_logical3A_121 = arith.shrui %bitcast_convert_type3A_118, %shift_right_logical3A_120 : vector<1000x16xi32>
    %and3A_122 = arith.constant 1 : i32
    %and3A_123 = vector.broadcast %and3A_122 : i32 to vector<1000x16xi32>
    %and3A_124 = arith.andi %shift_right_logical3A_121, %and3A_123 : vector<1000x16xi32>
    %add3A_125 = arith.constant 32767 : i32
    %add3A_126 = vector.broadcast %add3A_125 : i32 to vector<1000x16xi32>
    %add3A_127 = arith.addi %bitcast_convert_type3A_118, %add3A_126 : vector<1000x16xi32>
    %add3A_128 = arith.addi %add3A_127, %and3A_124 : vector<1000x16xi32>
    %and3A_129 = arith.constant -65536 : i32
    %and3A_130 = vector.broadcast %and3A_129 : i32 to vector<1000x16xi32>
    %and3A_131 = arith.andi %add3A_128, %and3A_130 : vector<1000x16xi32>
    %bitcast_convert_type3A_132 = tpu.bitcast %and3A_131 : vector<1000x16xi32> -> vector<1000x16xf32>
    %convert_element_type3A_133 = arith.truncf %bitcast_convert_type3A_99 : vector<1000x16xf32> to vector<1000x16xbf16>
    %convert_element_type3A_134 = arith.truncf %get3A_84 : vector<16x128xf32> to vector<16x128xbf16>
    %dot_general3A_135 = arith.constant dense<0.000000e+00> : vector<1000x128xf32>
    %dot_general3A_136 = tpu.matmul %convert_element_type3A_133, %convert_element_type3A_134, %dot_general3A_135 {dimension_numbers = #tpu.dot_dimension_numbers<[1], [0], [0], [1], [0, 0, 1, 1], [], []>, transpose_lhs_hint = false} : vector<1000x16xbf16>, vector<16x128xbf16>, vector<1000x128xf32> -> vector<1000x128xf32>
    %convert_element_type3A_137 = arith.truncf %bitcast_convert_type3A_115 : vector<1000x16xf32> to vector<1000x16xbf16>
    %convert_element_type3A_138 = arith.truncf %get3A_84 : vector<16x128xf32> to vector<16x128xbf16>
    %dot_general3A_139 = arith.constant dense<0.000000e+00> : vector<1000x128xf32>
    %dot_general3A_140 = tpu.matmul %convert_element_type3A_137, %convert_element_type3A_138, %dot_general3A_139 {dimension_numbers = #tpu.dot_dimension_numbers<[1], [0], [0], [1], [0, 0, 1, 1], [], []>, transpose_lhs_hint = false} : vector<1000x16xbf16>, vector<16x128xbf16>, vector<1000x128xf32> -> vector<1000x128xf32>
    %add3A_141 = arith.addf %dot_general3A_136, %dot_general3A_140 : vector<1000x128xf32>
    %convert_element_type3A_142 = arith.truncf %bitcast_convert_type3A_132 : vector<1000x16xf32> to vector<1000x16xbf16>
    %convert_element_type3A_143 = arith.truncf %get3A_84 : vector<16x128xf32> to vector<16x128xbf16>
    %dot_general3A_144 = arith.constant dense<0.000000e+00> : vector<1000x128xf32>
    %dot_general3A_145 = tpu.matmul %convert_element_type3A_142, %convert_element_type3A_143, %dot_general3A_144 {dimension_numbers = #tpu.dot_dimension_numbers<[1], [0], [0], [1], [0, 0, 1, 1], [], []>, transpose_lhs_hint = false} : vector<1000x16xbf16>, vector<16x128xbf16>, vector<1000x128xf32> -> vector<1000x128xf32>
    %add3A_146 = arith.addf %add3A_141, %dot_general3A_145 : vector<1000x128xf32>
    %add3A_147 = arith.addf %add3A_81, %add3A_146 : vector<1000x128xf32>
    %get3A_148 = arith.constant 0 : index
    %get3A_149 = arith.constant 0 : index
    %get3A_150 = vector.load %arg9[%get3A_148, %get3A_149] : memref<1x128xf32, #tpu.memory_space<vmem>>, vector<1x128xf32>
    %mul3A_151 = vector.broadcast %slice3A_15 : vector<1000x1xf32> to vector<1000x128xf32>
    %mul3A_152 = vector.broadcast %get3A_150 : vector<1x128xf32> to vector<1000x128xf32>
    %mul3A_153 = arith.mulf %mul3A_151, %mul3A_152 : vector<1000x128xf32>
    %add3A_154 = arith.addf %add3A_147, %mul3A_153 : vector<1000x128xf32>
    %get3A_155 = arith.constant 0 : index
    %get3A_156 = arith.constant 0 : index
    %get3A_157 = vector.load %arg10[%get3A_155, %get3A_156] : memref<128x384xf32, #tpu.memory_space<vmem>>, vector<128x384xf32>
    %dot_general3A_158 = arith.constant dense<0.000000e+00> : vector<1000x384xf32>
    %dot_general3A_159 = tpu.matmul %add3A_154, %get3A_157, %dot_general3A_158 {dimension_numbers = #tpu.dot_dimension_numbers<[1], [0], [0], [1], [0, 0, 1, 1], [], []>, transpose_lhs_hint = false} : vector<1000x128xf32>, vector<128x384xf32>, vector<1000x384xf32> -> vector<1000x384xf32>
    %get3A_160 = arith.constant 0 : index
    %get3A_161 = arith.constant 0 : index
    %get3A_162 = vector.load %arg12[%get3A_160, %get3A_161] : memref<1x384xf32, #tpu.memory_space<vmem>>, vector<1x384xf32>
    %add3A_163 = vector.broadcast %get3A_162 : vector<1x384xf32> to vector<1000x384xf32>
    %add3A_164 = arith.addf %dot_general3A_159, %add3A_163 : vector<1000x384xf32>
    %get3A_165 = arith.constant 0 : index
    %get3A_166 = arith.constant 0 : index
    %get3A_167 = vector.load %arg11[%get3A_165, %get3A_166] : memref<128x384xf32, #tpu.memory_space<vmem>>, vector<128x384xf32>
    %dot_general3A_168 = arith.constant dense<0.000000e+00> : vector<1000x384xf32>
    %dot_general3A_169 = tpu.matmul %get3A_1, %get3A_167, %dot_general3A_168 {dimension_numbers = #tpu.dot_dimension_numbers<[1], [0], [0], [1], [0, 0, 1, 1], [], []>, transpose_lhs_hint = false} : vector<1000x128xf32>, vector<128x384xf32>, vector<1000x384xf32> -> vector<1000x384xf32>
    %get3A_170 = arith.constant 0 : index
    %get3A_171 = arith.constant 0 : index
    %get3A_172 = vector.load %arg13[%get3A_170, %get3A_171] : memref<1x384xf32, #tpu.memory_space<vmem>>, vector<1x384xf32>
    %add3A_173 = vector.broadcast %get3A_172 : vector<1x384xf32> to vector<1000x384xf32>
    %add3A_174 = arith.addf %dot_general3A_169, %add3A_173 : vector<1000x384xf32>
    %slice3A_175 = vector.extract_strided_slice %add3A_164 {offsets = [0, 0], sizes = [1000, 128], strides = [1, 1]} : vector<1000x384xf32> to vector<1000x128xf32>
    %slice3A_176 = vector.extract_strided_slice %add3A_174 {offsets = [0, 0], sizes = [1000, 128], strides = [1, 1]} : vector<1000x384xf32> to vector<1000x128xf32>
    %add3A_177 = arith.addf %slice3A_175, %slice3A_176 : vector<1000x128xf32>
    %logistic3A = arith.negf %add3A_177 : vector<1000x128xf32>
    %logistic3A_178 = math.exp %logistic3A : vector<1000x128xf32>
    %logistic3A_179 = arith.constant 1.000000e+00 : f32
    %logistic3A_180 = vector.broadcast %logistic3A_179 : f32 to vector<1000x128xf32>
    %logistic3A_181 = arith.addf %logistic3A_180, %logistic3A_178 : vector<1000x128xf32>
    %logistic3A_182 = arith.divf %logistic3A_180, %logistic3A_181 : vector<1000x128xf32>
    %slice3A_183 = vector.extract_strided_slice %add3A_164 {offsets = [0, 128], sizes = [1000, 128], strides = [1, 1]} : vector<1000x384xf32> to vector<1000x128xf32>
    %slice3A_184 = vector.extract_strided_slice %add3A_174 {offsets = [0, 128], sizes = [1000, 128], strides = [1, 1]} : vector<1000x384xf32> to vector<1000x128xf32>
    %add3A_185 = arith.addf %slice3A_183, %slice3A_184 : vector<1000x128xf32>
    %logistic3A_186 = arith.negf %add3A_185 : vector<1000x128xf32>
    %logistic3A_187 = math.exp %logistic3A_186 : vector<1000x128xf32>
    %logistic3A_188 = arith.constant 1.000000e+00 : f32
    %logistic3A_189 = vector.broadcast %logistic3A_188 : f32 to vector<1000x128xf32>
    %logistic3A_190 = arith.addf %logistic3A_189, %logistic3A_187 : vector<1000x128xf32>
    %logistic3A_191 = arith.divf %logistic3A_189, %logistic3A_190 : vector<1000x128xf32>
    %slice3A_192 = vector.extract_strided_slice %add3A_164 {offsets = [0, 256], sizes = [1000, 128], strides = [1, 1]} : vector<1000x384xf32> to vector<1000x128xf32>
    %slice3A_193 = vector.extract_strided_slice %add3A_174 {offsets = [0, 256], sizes = [1000, 128], strides = [1, 1]} : vector<1000x384xf32> to vector<1000x128xf32>
    %mul3A_194 = arith.mulf %logistic3A_182, %slice3A_193 : vector<1000x128xf32>
    %add3A_195 = arith.addf %slice3A_192, %mul3A_194 : vector<1000x128xf32>
    %tanh3A = math.tanh %add3A_195 : vector<1000x128xf32>
    %sub3A_196 = arith.constant 1.000000e+00 : f32
    %sub3A_197 = vector.broadcast %sub3A_196 : f32 to vector<1000x128xf32>
    %sub3A_198 = arith.subf %sub3A_197, %logistic3A_191 : vector<1000x128xf32>
    %mul3A_199 = arith.mulf %sub3A_198, %tanh3A : vector<1000x128xf32>
    %mul3A_200 = arith.mulf %logistic3A_191, %get3A_1 : vector<1000x128xf32>
    %add3A_201 = arith.addf %mul3A_199, %mul3A_200 : vector<1000x128xf32>
    %swap3A = arith.constant 0 : index
    %swap3A_202 = arith.constant 0 : index
    %swap3A_203 = vector.load %arg14[%swap3A, %swap3A_202] : memref<1000x128xf32, #tpu.memory_space<vmem>>, vector<1000x128xf32>
    tpu.vector_store %arg14[%swap3A, %swap3A_202], %add3A_201 {strides = array<i32>} : memref<1000x128xf32, #tpu.memory_space<vmem>>, vector<1000x128xf32>,
    return
  }
  func.func @transform_0(%arg0: i32) -> (i32, i32) {
    %c0_i32 = arith.constant 0 : i32
    %c0_i32_0 = arith.constant 0 : i32
    return %arg0, %c0_i32 : i32, i32
  }
  func.func @transform_1(%arg0: i32) -> (i32, i32) {
    %c0_i32 = arith.constant 0 : i32
    %c0_i32_0 = arith.constant 0 : i32
    return %arg0, %c0_i32 : i32, i32
  }
  func.func @transform_2(%arg0: i32) -> (i32, i32) {
    %c0_i32 = arith.constant 0 : i32
    %c0_i32_0 = arith.constant 0 : i32
    return %arg0, %c0_i32 : i32, i32
  }
  func.func @transform_3(%arg0: i32) -> (i32, i32) {
    %c0_i32 = arith.constant 0 : i32
    %c0_i32_0 = arith.constant 0 : i32
    return %arg0, %c0_i32 : i32, i32
  }
  func.func @transform_4(%arg0: i32) -> (i32, i32) {
    %c0_i32 = arith.constant 0 : i32
    %c0_i32_0 = arith.constant 0 : i32
    return %arg0, %c0_i32 : i32, i32
  }
  func.func @transform_5(%arg0: i32) -> (i32, i32) {
    %c0_i32 = arith.constant 0 : i32
    %c0_i32_0 = arith.constant 0 : i32
    %c0_i32_1 = arith.constant 0 : i32
    return %c0_i32, %c0_i32_0 : i32, i32
  }
  func.func @transform_6(%arg0: i32) -> (i32, i32) {
    %c0_i32 = arith.constant 0 : i32
    %c0_i32_0 = arith.constant 0 : i32
    %c0_i32_1 = arith.constant 0 : i32
    return %c0_i32, %c0_i32_0 : i32, i32
  }
  func.func @transform_7(%arg0: i32) -> (i32, i32) {
    %c0_i32 = arith.constant 0 : i32
    %c0_i32_0 = arith.constant 0 : i32
    %c0_i32_1 = arith.constant 0 : i32
    return %c0_i32, %c0_i32_0 : i32, i32
  }
  func.func @transform_8(%arg0: i32) -> (i32, i32) {
    %c0_i32 = arith.constant 0 : i32
    %c0_i32_0 = arith.constant 0 : i32
    %c0_i32_1 = arith.constant 0 : i32
    return %c0_i32, %c0_i32_0 : i32, i32
  }
  func.func @transform_9(%arg0: i32) -> (i32, i32) {
    %c0_i32 = arith.constant 0 : i32
    %c0_i32_0 = arith.constant 0 : i32
    %c0_i32_1 = arith.constant 0 : i32
    return %c0_i32, %c0_i32_0 : i32, i32
  }
  func.func @transform_10(%arg0: i32) -> (i32, i32) {
    %c0_i32 = arith.constant 0 : i32
    %c0_i32_0 = arith.constant 0 : i32
    %c0_i32_1 = arith.constant 0 : i32
    return %c0_i32, %c0_i32_0 : i32, i32
  }
  func.func @transform_11(%arg0: i32) -> (i32, i32) {
    %c0_i32 = arith.constant 0 : i32
    %c0_i32_0 = arith.constant 0 : i32
    %c0_i32_1 = arith.constant 0 : i32
    return %c0_i32, %c0_i32_0 : i32, i32
  }
  func.func @transform_12(%arg0: i32) -> (i32, i32) {
    %c0_i32 = arith.constant 0 : i32
    %c0_i32_0 = arith.constant 0 : i32
    %c0_i32_1 = arith.constant 0 : i32
    return %c0_i32, %c0_i32_0 : i32, i32
  }
  func.func @transform_13(%arg0: i32) -> (i32, i32) {
    %c0_i32 = arith.constant 0 : i32
    %c0_i32_0 = arith.constant 0 : i32
    return %arg0, %c0_i32 : i32, i32
  }
}

</mosaic_0001>

<sc_bundles>
// kernel: kernel.12.cloned.1.call-start
scs
__scs_entry_jumppad:
0x0: {  	(pc) =	sbr.rel $0x88, $3  }
0x1: {  	(tag) =	ssettag $0x0;
	lr =	simm.s32 $0x1  }
0x2: {  	[smem:$0x3F98] =	sst lr;
	_ =	strace $0xD0000000  }
0x3: {  	_ = 	snop  }
0x4: {  	_ = 	snop  }
0x5: {  	_ = 	snop  }
0x6: {  	_ = 	snop  }
0x7: {  	_ = 	snop  }
__scs_overlays_trampoline_lowered:
0x8: {  	[smem:$0x3FA7] =	sst s0  }
0x9: {  	[smem:$0x3FA8] =	sst s1  }
0xa: {  	[smem:$0x3FA9] =	sst s2  }
0xb: {  	[smem:$0x3FAA] =	sst s3  }
0xc: {  	[smem:$0x3FAB] =	sst s4  }
0xd: {  	[smem:$0x3FAC] =	sst s5  }
0xe: {  	[smem:$0x3FAD] =	sst s6  }
0xf: {  	[smem:$0x3FAE] =	sst s7  }
0x10: {  	[smem:$0x3FAF] =	sst s8  }
0x11: {  	[smem:$0x3FB0] =	sst s9;
	s0 =	simm.s32 @!p0 $0x0  }
0x12: {  	s1 =	sld [smem:$0x3F96];
	s0 =	simm.s32 @p0 $0x1  }
0x13: {  	[smem:$0x3FB1] =	sst s0;
	s0 =	simm.s32 @!p1 $0x0  }
0x14: {  	s2 =	sld [smem:$0x3F95];
	s0 =	simm.s32 @p1 $0x1  }
0x15: {  	[smem:$0x3FB2] =	sst s0;
	s0 =	simm.s32 @!p2 $0x0  }
0x16: {  	s3 =	sld [smem:$0x3FDB];
	s0 =	simm.s32 @p2 $0x1  }
0x17: {  	s4 =	simm.s32 $0x1BF5;
	[smem:$0x3FB4] =	sst s0  }
0x18: {  	s0 =	sld [smem:$0x3F97];
	_ =	swait.ge [sflag:s4], $0x0  }
0x19: {  	s7 =	sld [smem:$0x3F98]  }
0x1a: {  	s8 =	sadd.s32 $0xFFFFE003, lr  }
0x1b: {  	s9 =	sadd.s32 $0xFFFFFEF7, lr;
	s5 =	simm.s32 $0xFFFFFFFF;
	p2 =	slt.u32 s8, $0xFFFFF086  }
0x1c: {  	p1 =	slt.u32 s9, $0xF7A;
	s5 =	simm.s32 @!p2 $0x0  }
0x1d: {  	s5 =	simm.s32 @p1 $0x1;
	p0 =	seq.s32 s7, s2  }
0x1e: {  	s7 =	smul.u32 @!p0 $0xF7A, s2;
	p2 =	seq.s32 @!p0 s5, $0x0  }
0x1f: {  	s9 =	smul.u32 $0xF7A, s1;
	s8 =	simm.s32 @!p0 $0x1BF5;
	p2 =	por !p2, p0  }
0x20: {  	[sflag:s8] =	ssyncset.s32 @!p0 $0xFFFFF086;
	s6 =	sadd.s32 @!p0 s3, s7;
	s7 =	simm.s32 @!p0 $0x108  }
0x21: {  	s3 =	sadd.s32 s3, s9;
	s6 =	sadd.s32 @!p0 $0x88, s6;
	s7 =	simm.s32 @p2 $0x1082  }
0x22: {  	[simem:s7], [sflag:s8] =	dma.local @!p0 [hbm:s6], $0xF7A  }
0x23: {  	s9 =	sor.u32 $0xD0000000, s2;
	s6 =	simm.s32 $0x108;
	_ =	swait.ge @!p0 [sflag:s8], $0x0  }
0x24: {  	s3 =	sadd.s32 $0x88, s3;
	s6 =	simm.s32 @!p1 $0x1082;
	[sflag:s4] =	ssyncset.s32 $0xFFFFF086  }
0x25: {  	[simem:s6], [sflag:s4] =	dma.local [hbm:s3], $0xF7A  }
0x26: {  	[smem:$0x3F98] =	sst s1;
	(tag) =	ssettag s2;
	_ =	strace s9  }
0x27: {  	s1 =	sld [smem:$0x3FA8]  }
0x28: {  	s2 =	sld [smem:$0x3FA9]  }
0x29: {  	s4 =	sld [smem:$0x3FAB]  }
0x2a: {  	p0 =	seq.s32 s5, $0x0;
	s5 =	sld [smem:$0x3FAC]  }
0x2b: {  	s6 =	sld [smem:$0x3FAD]  }
0x2c: {  	s7 =	sld [smem:$0x3FAE]  }
0x2d: {  	s3 =	simm.s32 $0x108;
	s8 =	sld [smem:$0x3FAF]  }
0x2e: {  	s3 =	simm.s32 @!p0 $0x1082;
	s9 =	sld [smem:$0x3FB0]  }
0x2f: {  	lr =	sadd.s32 s0, s3;
	s0 =	sld [smem:$0x3FA7]  }
0x30: {  	s3 =	sld [smem:$0x3FAA]  }
0x31: {  	[smem:$0x3FB3] =	sst s10  }
0x32: {  	s10 =	sld [smem:$0x3FB1];
	_ =	sdelay $0x3  }
0x33: {  	p0 =	seq.s32 s10, $0x1;
	s10 =	sld [smem:$0x3FB3];
	_ =	sdelay $0x3  }
0x34: {  	[smem:$0x3FB3] =	sst s10  }
0x35: {  	s10 =	sld [smem:$0x3FB2];
	_ =	sdelay $0x3  }
0x36: {  	p1 =	seq.s32 s10, $0x1;
	s10 =	sld [smem:$0x3FB3];
	_ =	sdelay $0x3  }
0x37: {  	[smem:$0x3FB3] =	sst s10  }
0x38: {  	s10 =	sld [smem:$0x3FB4]  }
0x39: {  	_ = 	snop;
	(pc) =	sbr.ind lr, $3  }
0x3a: {  	_ = 	snop  }
0x3b: {  	_ = 	snop  }
0x3c: {  	p2 =	seq.s32 s10, $0x1;
	s10 =	sld [smem:$0x3FB3]  }
0x3d: {  	_ =	shalt  }
0x3e: {  	_ =	shalt  }
0x3f: {  	_ =	shalt  }
0x40: {  	_ =	shalt  }
0x41: {  	_ =	shalt  }
0x42: {  	_ =	shalt  }
0x43: {  	_ =	shalt  }
0x44: {  	_ =	shalt  }
0x45: {  	_ =	shalt  }
0x46: {  	_ =	shalt  }
0x47: {  	_ =	shalt  }
0x48: {  	_ =	shalt  }
0x49: {  	_ =	shalt  }
0x4a: {  	_ =	shalt  }
0x4b: {  	_ =	shalt  }
0x4c: {  	_ =	shalt  }
0x4d: {  	_ =	shalt  }
0x4e: {  	_ =	shalt  }
0x4f: {  	_ =	shalt  }
0x50: {  	_ =	shalt  }
0x51: {  	_ =	shalt  }
0x52: {  	_ =	shalt  }
0x53: {  	_ =	shalt  }
0x54: {  	_ =	shalt  }
0x55: {  	_ =	shalt  }
0x56: {  	_ =	shalt  }
0x57: {  	_ =	shalt  }
0x58: {  	_ =	shalt  }
0x59: {  	_ =	shalt  }
0x5a: {  	_ =	shalt  }
0x5b: {  	_ =	shalt  }
0x5c: {  	_ =	shalt  }
0x5d: {  	_ =	shalt  }
0x5e: {  	_ =	shalt  }
0x5f: {  	_ =	shalt  }
0x60: {  	_ =	shalt  }
0x61: {  	_ =	shalt  }
0x62: {  	_ =	shalt  }
0x63: {  	_ =	shalt  }
0x64: {  	_ =	shalt  }
0x65: {  	_ =	shalt  }
0x66: {  	_ =	shalt  }
0x67: {  	_ =	shalt  }
0x68: {  	_ =	shalt  }
0x69: {  	_ =	shalt  }
0x6a: {  	_ =	shalt  }
0x6b: {  	_ =	shalt  }
0x6c: {  	_ =	shalt  }
0x6d: {  	_ =	shalt  }
0x6e: {  	_ =	shalt  }
0x6f: {  	_ =	shalt  }
0x70: {  	_ =	shalt  }
0x71: {  	_ =	shalt  }
0x72: {  	_ =	shalt  }
0x73: {  	_ =	shalt  }
0x74: {  	_ =	shalt  }
0x75: {  	_ =	shalt  }
0x76: {  	_ =	shalt  }
0x77: {  	_ =	shalt  }
0x78: {  	_ =	shalt  }
0x79: {  	_ =	shalt  }
0x7a: {  	_ =	shalt  }
0x7b: {  	_ =	shalt  }
0x7c: {  	_ =	shalt  }
0x7d: {  	_ =	shalt  }
0x7e: {  	_ =	shalt  }
0x7f: {  	_ =	shalt  }
0x80: {  	_ =	shalt  }
0x81: {  	_ =	shalt  }
0x82: {  	_ =	shalt  }
0x83: {  	_ =	shalt  }
0x84: {  	_ =	shalt  }
0x85: {  	_ =	shalt  }
0x86: {  	_ =	shalt  }
0x87: {  	_ =	shalt  }
.Lfunc_end0:
.L_simem_size_0:
called_computation_lowered:
.L_overlay_start_0:
0x88: {  	s2 =	sld [smem:$0x3FD9]  }
0x89: {  	s3 =	sld [smem:$0x3FFE];
	_ =	sdelay $0x1  }
0x8a: {  	s1 =	srdreg.scid  }
0x8b: {  	s0 =	sand.u32 $0x1, s1  }
0x8c: {  	s16 =	sshll.u32 s0, $0xA;
	s2 =	sadd.s32 s3, s2  }
0x8d: {  	s2 =	sadd.s32 s2, s16  }
0x8e: {  	[smem:$0x3FBF] =	sst s2  }
0x8f: {  	_ = 	snop  }
0x90: {  	(tm) =	ssettm $0x1  }
0x91: {  	s17 =	sld [smem:$0x3FFB];
	_ =	sdelay $0x3  }
0x92: {  	_ =	strace s17  }
0x93: {  	s2 =	sld [smem:$0x3FFC];
	_ =	sdelay $0x3  }
0x94: {  	_ =	strace s2  }
0x95: {  	s2 =	sld [smem:$0x3FFD];
	_ =	sdelay $0x3  }
0x96: {  	_ =	strace s2  }
0x97: {  	_ =	strace $0x8FFFFFFF  }
0x98: {  	s18 =	sld [smem:$0x3FDB];
	_ =	sdelay $0x1  }
0x99: {  	s19 =	simm.s32 $_scs_section_size  }
0x9a: {  	s4 =	simm.s32 $_size__tile_overlayer_lowered;
	s5 =	simm.s32 $_tile_overlayer_lowered  }
0x9b: {  	s22 =	simm.s32 $0x1BFF;
	s21 =	sshll.u32 s5, $0x1;
	s2 =	sadd.s32 s19, s18  }
0x9c: {  	s6 =	simm.s32 $0x0;
	s20 =	sshll.u32 s4, $0x1;
	s4 =	sadd.s32 s21, s2  }
0x9d: {  	[timem:s6], [sflag:s22] =	dma.local [hbm:s4], s20  }
0x9e: {  	_ =	swait.ge [sflag:s22], s20  }
0x9f: {  	s3 =	ssub.s32 $0x0, s20;
	[sflag:s22] =	ssyncset.done $0x0  }
0xa0: {  	[sflag:s22] =	ssyncadd.s32 s3;
	_ =	sdelay $0x1  }
0xa1: {  	s23 =	simm.s32 $0x1B8B  }
0xa2: {  	_ =	swait.ge [sflag:s23], $0x1  }
0xa3: {  	[sflag:s23] =	ssyncset.done $0x0  }
0xa4: {  	s25 =	simm.s32 $0x1B8E;
	s24 =	sld [smem:$0x3FFE];
	[sflag:s23] =	ssyncadd.s32 $0xFFFFFFFF  }
0xa5: {  	s26 =	simm.s32 $execute0_lowered;
	[smem:$0x3FD2] =	sst s25  }
0xa6: {  	s4 =	sshll.u32 s26, $0x1;
	_ =	strace $0x80000046;
	[dreg:$0x1] =	wrdreg $0xFFFFFFFF  }
0xa7: {  	s28 =	simm.s32 $_size_execute0_lowered;
	s2 =	sadd.s32 s2, s4;
	[dreg:$0x0] =	wrdreg $0x0  }
0xa8: {  	s4 =	sshll.u32 s28, $0x1;
	[dreg:$0x2] =	wrdreg s2  }
0xa9: {  	[dreg:$0x3] =	wrdreg s4  }
0xaa: {  	[dreg:$0x4] =	wrdreg $0xC0  }
0xab: {  	_ =	task [dreg:s6], $0x5FFFF  }
0xac: {  	[dreg:$0x1] =	wrdreg $0xFFFFFFFF  }
0xad: {  	[dreg:$0x0] =	wrdreg $0x60  }
0xae: {  	[dreg:$0x2] =	wrdreg s24  }
0xaf: {  	[dreg:$0x3] =	wrdreg $0x0  }
0xb0: {  	[dreg:$0x4] =	wrdreg $0x9  }
0xb1: {  	_ =	task.clear_ibuf [dreg:s6], $0x5FFFF;
	_ =	strace $0x90000046  }
0xb2: {  	s29 =	simm.s32 $0x9;
	_ =	strace $0x80000048  }
0xb3: {  	_ =	swait.ge [sflag:s29], $0x1  }
0xb4: {  	[sflag:s29] =	ssyncadd.s32 $0xFFFFFFFF  }
0xb5: {  	_ =	strace $0x90000048  }
0xb6: {  	_ =	sfence  }
0xb7: {  	s30 =	sld [smem:$0x0];
	_ =	sdelay $0x2  }
0xb8: {  	s31 =	sshll.u32 s1, $0xD;
	s1 =	sshrl.u32 s1, $0x2  }
0xb9: {  	s3 =	sand.u32 $0x4000, s31;
	s1 =	sadd.s32 s1, s30  }
0xba: {  	s0 =	sor.u32 s3, s0;
	s1 =	sshll.u32 s1, $0x11  }
0xbb: {  	s0 =	sor.u32 s1, s0  }
0xbc: {  	s0 =	sadd.s32 $0x8F2B, s0  }
0xbd: {  	[sflag:s0] =	ssyncadd.remote.s32 $0x1  }
0xbe: {  	_ =	sfence.sel $0xFFFF  }
0xbf: {  	[dreg:$0x0] =	wrdreg $0xFFFFFFFF;
	(pc) =	sbr.abs _section_cstart, $3  }
0xc0: {  	[dreg:$0x1] =	wrdreg $0xFFFFFFFF  }
0xc1: {  	_ =	task.clear_ibuf [dreg:s6], $0x2FFFF;
	_ =	strace $0x9FFFFFFF  }
0xc2: {  	(tm) =	ssettm $0x7FFFFFFF  }
0xc3: {  	_ =	shalt  }
tec
execute0_lowered:
.L_overlay_start_1:
0x0: {  	(tag) =	ssettag $0x1  }
0x1: {  	s5 =	rddreg [dreg:$0x0];
	s24 =	stileid.u32  }
0x2: {  	s0 =	srdreg.scid;
	s8 =	smul.u32 $0x50000, s24  }
0x3: {  	s1 =	rddreg [dreg:$0x1];
	s9 =	smul.u32 $0x14000, s24  }
0x4: {  	s2 =	simm.s32 $0x0;
	s22 =	simm.s32 $0x80;
	s29 =	smul.u32 $0x27800, s24  }
0x5: {  	s23 =	simm.s32 $0x0;
	s6 =	sand.u32 $0x1, s0;
	s30 =	smul.u32 $0x4F0, s24  }
0x6: {  	[smem:$0x7FF] =	sst s2;
	s14 =	sadd.s32 $0x17A00, s5;
	s3 =	smul.u32 $0x278000, s6  }
0x7: {  	s28 =	sshll.u32 s24, $0x6;
	s4 =	smul.u32 $0x4F00, s6;
	s7 =	ssub.s32 $0x2, s6  }
0x8: {  	_ =	strace $0x80000047;
	s19 =	smul.u32 $0x140000, s6;
	s25 =	sshrl.u32 s7, $0x1  }
0x9: {  	s26 =	sshrl.u32 s8, $0x2;
	s10 =	sadd.s32 $0x4000, s9;
	s12 =	sadd.s32 $0x8000, s9  }
0xa: {  	s13 =	sadd.s32 $0xC000, s9;
	s20 =	sadd.s32 $0x10000, s9;
	s15 =	sadd.s32 s3, s5  }
0xb: {  	s16 =	sadd.s32 s4, s5;
	s4 =	sadd.s32 $0x17200, s5;
	s17 =	ssub.s32 s7, s25  }
0xc: {  	s18 =	sadd.s32 s26, s1;
	s5 =	sor.u32 $0x1C01, s28;
	s6 =	sadd.s32 s10, s1  }
0xd: {  	s7 =	sadd.s32 s12, s1;
	s8 =	sadd.s32 s13, s1;
	s11 =	sadd.s32 s9, s19  }
0xe: {  	s10 =	sadd.s32 s19, s10;
	s9 =	sadd.s32 s20, s1;
	s12 =	sadd.s32 s19, s12  }
0xf: {  	s13 =	sadd.s32 s19, s13;
	s19 =	sadd.s32 s19, s20;
	s11 =	sshrl.u32 s11, $0x3  }
0x10: {  	s21 =	sshrl.u32 s10, $0x3;
	s12 =	sshrl.u32 s12, $0x3;
	s13 =	sshrl.u32 s13, $0x3  }
0x11: {  	s19 =	sshrl.u32 s19, $0x3;
	s31 =	sadd.s32 s29, s15;
	s20 =	sadd.s32 s30, s16  }
0x12: {  	s15 =	smax.u32 s17, $0x1;
	s18 =	sshrl.u32 s18, $0x3;
	s10 =	sadd.s32 s14, s11  }
0x13: {  	s11 =	sadd.s32 s14, s21;
	s12 =	sadd.s32 s14, s12;
	s13 =	sadd.s32 s14, s13  }
0x14: {  	s14 =	sadd.s32 s14, s19;
	s16 =	sadd.s32 $0x4E5600, s31;
	s17 =	sadd.s32 $0xD400, s20  }
0x15: {  	s19 =	simm.s32 $0x1;
	s20 =	simm.s32 $0x14000;
	s21 =	simm.s32 $0x14080  }
.LBB2_1:
0x16: {  	[spmem:s18], [sflag:s5] =	dma.local [hbm:s4], $0x800  }
0x17: {  	_ =	swait.ge [sflag:s19], $0x800  }
0x18: {  	[sflag:s19] =	ssyncset.done $0x0  }
0x19: {  	s24 =	sshrl.u32 s6, $0x3;
	[sflag:s19] =	ssyncadd.s32 $0xFFFFF800  }
0x1a: {  	[spmem:s24], [sflag:s5] =	dma.local [hbm:s4], $0x800  }
0x1b: {  	_ =	swait.ge [sflag:s19], $0x800  }
0x1c: {  	[sflag:s19] =	ssyncset.done $0x0  }
0x1d: {  	s25 =	sshrl.u32 s7, $0x3;
	[sflag:s19] =	ssyncadd.s32 $0xFFFFF800  }
0x1e: {  	[spmem:s25], [sflag:s5] =	dma.local [hbm:s4], $0x800  }
0x1f: {  	_ =	swait.ge [sflag:s19], $0x800  }
0x20: {  	[sflag:s19] =	ssyncset.done $0x0  }
0x21: {  	s26 =	sshrl.u32 s8, $0x3;
	[sflag:s19] =	ssyncadd.s32 $0xFFFFF800  }
0x22: {  	[spmem:s26], [sflag:s5] =	dma.local [hbm:s4], $0x800  }
0x23: {  	_ =	swait.ge [sflag:s19], $0x800  }
0x24: {  	[sflag:s19] =	ssyncset.done $0x0  }
0x25: {  	s28 =	sshrl.u32 s9, $0x3;
	[sflag:s19] =	ssyncadd.s32 $0xFFFFF800  }
0x26: {  	[spmem:s28], [sflag:s5] =	dma.local [hbm:s4], $0x800  }
0x27: {  	_ =	swait.ge [sflag:s19], $0x800  }
0x28: {  	[sflag:s19] =	ssyncset.done $0x0  }
0x29: {  	[sflag:s19] =	ssyncadd.s32 $0xFFFFF800  }
0x2a: {  	s29 =	sadd.s32 $0x0, s17;
	[bflag:$0x0] =	sbarrier.arrive $0xFFFF  }
0x2b: {  	[tilespmem:s20], [sflag:$0x1] =	stream.linear.gather [hbm4b:s29+s2], $0x80, $0x38;
	[tilespmem:$0x18080] =	vst v63  }
0x2c: {  	_ =	swait.ge [sflag:s19], $0x80  }
0x2d: {  	[sflag:s19] =	ssyncset.done $0x0  }
0x2e: {  	[sflag:s19] =	ssyncadd.s32 $0xFFFFFF80  }
0x2f: {  	[tilespmem:s21], [sflag:$0x1] =	stream.linear.gather [hbm4b:s16+s2], $0x4000, $0x38;
	[tilespmem:$0x18080] =	vst v63  }
0x30: {  	_ =	swait.ge [sflag:s19], $0x4000  }
0x31: {  	[sflag:s19] =	ssyncset.done $0x0  }
0x32: {  	[sflag:s19] =	ssyncadd.s32 $0xFFFFC000  }
0x33: {  	[spmem:s1] =	stream.indirect.scatter.add.f32 [tilespmem:s21], [sflag:$0x1], $0x80, s20, s22, $0xb8;
	[tilespmem:$0x18080] =	vst v63  }
0x34: {  	s30 =	simm.s32 $0x10;
	_ =	swait.ge [sflag:s19], $0x4000  }
0x35: {  	s31 =	simm.s32 $0x20;
	s29 =	sadd.s32 $0x800, s16;
	[sflag:s19] =	ssyncset.done $0x0  }
.LBB2_2:
0x36: {  	s0 =	sadd.s32 s30, s17  }
0x37: {  	[sflag:s19] =	ssyncadd.s32 $0xFFFFC000;
	s30 =	smov.u32 s31;
	s3 =	sadd.s32 $0x10, s31  }
0x38: {  	[tilespmem:s20], [sflag:$0x1] =	stream.linear.gather [hbm4b:s0+s2], $0x80, $0x38;
	[tilespmem:$0x18080] =	vst v63  }
0x39: {  	p0 =	sne.s32 s31, $0x4E0;
	_ =	swait.ge [sflag:s19], $0x80  }
0x3a: {  	[sflag:s19] =	ssyncset.done $0x0  }
0x3b: {  	[sflag:s19] =	ssyncadd.s32 $0xFFFFFF80  }
0x3c: {  	[tilespmem:s21], [sflag:$0x1] =	stream.linear.gather [hbm4b:s29+s2], $0x4000, $0x38;
	[tilespmem:$0x18080] =	vst v63  }
0x3d: {  	_ =	swait.ge [sflag:s19], $0x4000  }
.Ltmp0:
0x3e: {  	[sflag:s19] =	ssyncset.done $0x0;
	(pc) =	sbr.rel @p0 .LBB2_2-.Ltmp0, $4  }
0x3f: {  	[sflag:s19] =	ssyncadd.s32 $0xFFFFC000  }
0x40: {  	[spmem:s1] =	stream.indirect.scatter.add.f32 [tilespmem:s21], [sflag:$0x1], $0x80, s20, s22, $0xb8;
	[tilespmem:$0x18080] =	vst v63  }
0x41: {  	_ =	swait.ge [sflag:s19], $0x4000  }
0x42: {  	s31 =	smov.u32 s3;
	s29 =	sadd.s32 $0x800, s29;
	[sflag:s19] =	ssyncset.done $0x0  }
0x43: {  	s0 =	sadd.s32 s30, s17;
	[sflag:s19] =	ssyncadd.s32 $0xFFFFC000  }
0x44: {  	[tilespmem:s20], [sflag:$0x1] =	stream.linear.gather [hbm4b:s0+s2], $0x80, $0x38;
	[tilespmem:$0x18080] =	vst v63  }
0x45: {  	_ =	swait.ge [sflag:s19], $0x80  }
0x46: {  	[sflag:s19] =	ssyncset.done $0x0  }
0x47: {  	[sflag:s19] =	ssyncadd.s32 $0xFFFFFF80  }
0x48: {  	[tilespmem:s21], [sflag:$0x1] =	stream.linear.gather [hbm4b:s29+s2], $0x4000, $0x38;
	[tilespmem:$0x18080] =	vst v63  }
0x49: {  	_ =	swait.ge [sflag:s19], $0x4000  }
0x4a: {  	[sflag:s19] =	ssyncset.done $0x0  }
0x4b: {  	[sflag:s19] =	ssyncadd.s32 $0xFFFFC000  }
0x4c: {  	[spmem:s1] =	stream.indirect.scatter.add.f32 [tilespmem:s21], [sflag:$0x1], $0x80, s20, s22, $0xb8;
	[tilespmem:$0x18080] =	vst v63  }
0x4d: {  	_ =	swait.ge [sflag:s19], $0x4000  }
0x4e: {  	[sflag:s19] =	ssyncset.done $0x0  }
0x4f: {  	[sflag:s19] =	ssyncadd.s32 $0xFFFFC000  }
0x50: {  	[bflag:$0x0] =	sbarrier.arrive $0xFFFF  }
0x51: {  	[hbm:s10], [sflag:s5] =	dma.local [spmem:s18], $0x800  }
0x52: {  	_ =	swait.ge [sflag:s19], $0x800  }
0x53: {  	[sflag:s19] =	ssyncset.done $0x0  }
0x54: {  	[sflag:s19] =	ssyncadd.s32 $0xFFFFF800  }
0x55: {  	[hbm:s11], [sflag:s5] =	dma.local [spmem:s24], $0x800  }
0x56: {  	_ =	swait.ge [sflag:s19], $0x800  }
0x57: {  	[sflag:s19] =	ssyncset.done $0x0  }
0x58: {  	[sflag:s19] =	ssyncadd.s32 $0xFFFFF800  }
0x59: {  	[hbm:s12], [sflag:s5] =	dma.local [spmem:s25], $0x800  }
0x5a: {  	_ =	swait.ge [sflag:s19], $0x800  }
0x5b: {  	[sflag:s19] =	ssyncset.done $0x0  }
0x5c: {  	[sflag:s19] =	ssyncadd.s32 $0xFFFFF800  }
0x5d: {  	[hbm:s13], [sflag:s5] =	dma.local [spmem:s26], $0x800  }
0x5e: {  	s23 =	sadd.s32 $0x1, s23;
	_ =	swait.ge [sflag:s19], $0x800  }
0x5f: {  	p0 =	sne.s32 s23, s15;
	[sflag:s19] =	ssyncset.done $0x0  }
.Ltmp1:
0x60: {  	[sflag:s19] =	ssyncadd.s32 $0xFFFFF800;
	(pc) =	sbr.rel @p0 .LBB2_1-.Ltmp1, $4  }
0x61: {  	[hbm:s14], [sflag:s5] =	dma.local [spmem:s28], $0x800  }
0x62: {  	_ =	swait.ge [sflag:s19], $0x800  }
0x63: {  	[sflag:s19] =	ssyncset.done $0x0  }
0x64: {  	[sflag:s19] =	ssyncadd.s32 $0xFFFFF800  }
0x65: {  	_ =	sfence.sel $0x180000  }
0x66: {  	[bflag:$0x0] =	sbarrier.arrive $0xFFFF  }
0x67: {  	_ =	strace $0x90000047  }
0x68: {  	s0 =	stileid.u32;
	[bflag:$0x2] =	sbarrier.arrive $0xFFFF  }
0x69: {  	p0 =	sne.s32 s0, $0x0;
	s0 =	rddreg [dreg:$0x2]  }
0x6a: {  	s0 =	sadd.s32 @!p0 $0x100000, s0  }
0x6b: {  	[sflag:s0] =	ssyncadd.tile.s32 @!p0 $0x1;
	_ =	shalt  }
.Lfunc_end2:
_tile_overlayer_lowered:
.L_overlay_start_2:
0x6c: {  	(tag) =	ssettag $0x2  }
0x6d: {  	s0 =	rddreg [dreg:$0x0];
	s2 =	stileid.u32  }
0x6e: {  	s1 =	rddreg [dreg:$0x1];
	p0 =	sne.s32 s2, $0x0  }
0x6f: {  	s3 =	rddreg [dreg:$0x2];
	[bflag:$0x3] =	sbarrier.arrive $0xFFFF;
	s2 =	simm.s32 @!p0 $0x1C01  }
0x70: {  	[timem:s3], [sflag:s2] =	dma.local @!p0 [hbm:s0], s1  }
0x71: {  	s0 =	simm.s32 @!p0 $0x1  }
0x72: {  	_ =	swait.ge @!p0 [sflag:s0], s1  }
0x73: {  	s1 =	ssub.s32 @!p0 $0x0, s1;
	[sflag:s0] =	ssyncset.done @!p0 $0x0  }
0x74: {  	[sflag:s0] =	ssyncadd.s32 @!p0 s1  }
0x75: {  	[bflag:$0x3] =	sbarrier.arrive $0xFFFF  }
0x76: {  	_ =	shalt  }

// kernel: kernel.15.cloned.1.call-start
scs
__scs_entry_jumppad:
0x0: {  	(pc) =	sbr.rel $0x88, $3  }
0x1: {  	(tag) =	ssettag $0x0;
	lr =	simm.s32 $0x1  }
0x2: {  	[smem:$0x3F98] =	sst lr;
	_ =	strace $0xD0000000  }
0x3: {  	_ = 	snop  }
0x4: {  	_ = 	snop  }
0x5: {  	_ = 	snop  }
0x6: {  	_ = 	snop  }
0x7: {  	_ = 	snop  }
__scs_overlays_trampoline_lowered:
0x8: {  	[smem:$0x3FA7] =	sst s0  }
0x9: {  	[smem:$0x3FA8] =	sst s1  }
0xa: {  	[smem:$0x3FA9] =	sst s2  }
0xb: {  	[smem:$0x3FAA] =	sst s3  }
0xc: {  	[smem:$0x3FAB] =	sst s4  }
0xd: {  	[smem:$0x3FAC] =	sst s5  }
0xe: {  	[smem:$0x3FAD] =	sst s6  }
0xf: {  	[smem:$0x3FAE] =	sst s7  }
0x10: {  	[smem:$0x3FAF] =	sst s8  }
0x11: {  	[smem:$0x3FB0] =	sst s9;
	s0 =	simm.s32 @!p0 $0x0  }
0x12: {  	s1 =	sld [smem:$0x3F96];
	s0 =	simm.s32 @p0 $0x1  }
0x13: {  	[smem:$0x3FB1] =	sst s0;
	s0 =	simm.s32 @!p1 $0x0  }
0x14: {  	s2 =	sld [smem:$0x3F95];
	s0 =	simm.s32 @p1 $0x1  }
0x15: {  	[smem:$0x3FB2] =	sst s0;
	s0 =	simm.s32 @!p2 $0x0  }
0x16: {  	s3 =	sld [smem:$0x3FDB];
	s0 =	simm.s32 @p2 $0x1  }
0x17: {  	s4 =	simm.s32 $0x1BF5;
	[smem:$0x3FB4] =	sst s0  }
0x18: {  	s0 =	sld [smem:$0x3F97];
	_ =	swait.ge [sflag:s4], $0x0  }
0x19: {  	s7 =	sld [smem:$0x3F98]  }
0x1a: {  	s8 =	sadd.s32 $0xFFFFE003, lr  }
0x1b: {  	s9 =	sadd.s32 $0xFFFFFEF7, lr;
	s5 =	simm.s32 $0xFFFFFFFF;
	p2 =	slt.u32 s8, $0xFFFFF086  }
0x1c: {  	p1 =	slt.u32 s9, $0xF7A;
	s5 =	simm.s32 @!p2 $0x0  }
0x1d: {  	s5 =	simm.s32 @p1 $0x1;
	p0 =	seq.s32 s7, s2  }
0x1e: {  	s7 =	smul.u32 @!p0 $0xF7A, s2;
	p2 =	seq.s32 @!p0 s5, $0x0  }
0x1f: {  	s9 =	smul.u32 $0xF7A, s1;
	s8 =	simm.s32 @!p0 $0x1BF5;
	p2 =	por !p2, p0  }
0x20: {  	[sflag:s8] =	ssyncset.s32 @!p0 $0xFFFFF086;
	s6 =	sadd.s32 @!p0 s3, s7;
	s7 =	simm.s32 @!p0 $0x108  }
0x21: {  	s3 =	sadd.s32 s3, s9;
	s6 =	sadd.s32 @!p0 $0x88, s6;
	s7 =	simm.s32 @p2 $0x1082  }
0x22: {  	[simem:s7], [sflag:s8] =	dma.local @!p0 [hbm:s6], $0xF7A  }
0x23: {  	s9 =	sor.u32 $0xD0000000, s2;
	s6 =	simm.s32 $0x108;
	_ =	swait.ge @!p0 [sflag:s8], $0x0  }
0x24: {  	s3 =	sadd.s32 $0x88, s3;
	s6 =	simm.s32 @!p1 $0x1082;
	[sflag:s4] =	ssyncset.s32 $0xFFFFF086  }
0x25: {  	[simem:s6], [sflag:s4] =	dma.local [hbm:s3], $0xF7A  }
0x26: {  	[smem:$0x3F98] =	sst s1;
	(tag) =	ssettag s2;
	_ =	strace s9  }
0x27: {  	s1 =	sld [smem:$0x3FA8]  }
0x28: {  	s2 =	sld [smem:$0x3FA9]  }
0x29: {  	s4 =	sld [smem:$0x3FAB]  }
0x2a: {  	p0 =	seq.s32 s5, $0x0;
	s5 =	sld [smem:$0x3FAC]  }
0x2b: {  	s6 =	sld [smem:$0x3FAD]  }
0x2c: {  	s7 =	sld [smem:$0x3FAE]  }
0x2d: {  	s3 =	simm.s32 $0x108;
	s8 =	sld [smem:$0x3FAF]  }
0x2e: {  	s3 =	simm.s32 @!p0 $0x1082;
	s9 =	sld [smem:$0x3FB0]  }
0x2f: {  	lr =	sadd.s32 s0, s3;
	s0 =	sld [smem:$0x3FA7]  }
0x30: {  	s3 =	sld [smem:$0x3FAA]  }
0x31: {  	[smem:$0x3FB3] =	sst s10  }
0x32: {  	s10 =	sld [smem:$0x3FB1];
	_ =	sdelay $0x3  }
0x33: {  	p0 =	seq.s32 s10, $0x1;
	s10 =	sld [smem:$0x3FB3];
	_ =	sdelay $0x3  }
0x34: {  	[smem:$0x3FB3] =	sst s10  }
0x35: {  	s10 =	sld [smem:$0x3FB2];
	_ =	sdelay $0x3  }
0x36: {  	p1 =	seq.s32 s10, $0x1;
	s10 =	sld [smem:$0x3FB3];
	_ =	sdelay $0x3  }
0x37: {  	[smem:$0x3FB3] =	sst s10  }
0x38: {  	s10 =	sld [smem:$0x3FB4]  }
0x39: {  	_ = 	snop;
	(pc) =	sbr.ind lr, $3  }
0x3a: {  	_ = 	snop  }
0x3b: {  	_ = 	snop  }
0x3c: {  	p2 =	seq.s32 s10, $0x1;
	s10 =	sld [smem:$0x3FB3]  }
0x3d: {  	_ =	shalt  }
0x3e: {  	_ =	shalt  }
0x3f: {  	_ =	shalt  }
0x40: {  	_ =	shalt  }
0x41: {  	_ =	shalt  }
0x42: {  	_ =	shalt  }
0x43: {  	_ =	shalt  }
0x44: {  	_ =	shalt  }
0x45: {  	_ =	shalt  }
0x46: {  	_ =	shalt  }
0x47: {  	_ =	shalt  }
0x48: {  	_ =	shalt  }
0x49: {  	_ =	shalt  }
0x4a: {  	_ =	shalt  }
0x4b: {  	_ =	shalt  }
0x4c: {  	_ =	shalt  }
0x4d: {  	_ =	shalt  }
0x4e: {  	_ =	shalt  }
0x4f: {  	_ =	shalt  }
0x50: {  	_ =	shalt  }
0x51: {  	_ =	shalt  }
0x52: {  	_ =	shalt  }
0x53: {  	_ =	shalt  }
0x54: {  	_ =	shalt  }
0x55: {  	_ =	shalt  }
0x56: {  	_ =	shalt  }
0x57: {  	_ =	shalt  }
0x58: {  	_ =	shalt  }
0x59: {  	_ =	shalt  }
0x5a: {  	_ =	shalt  }
0x5b: {  	_ =	shalt  }
0x5c: {  	_ =	shalt  }
0x5d: {  	_ =	shalt  }
0x5e: {  	_ =	shalt  }
0x5f: {  	_ =	shalt  }
0x60: {  	_ =	shalt  }
0x61: {  	_ =	shalt  }
0x62: {  	_ =	shalt  }
0x63: {  	_ =	shalt  }
0x64: {  	_ =	shalt  }
0x65: {  	_ =	shalt  }
0x66: {  	_ =	shalt  }
0x67: {  	_ =	shalt  }
0x68: {  	_ =	shalt  }
0x69: {  	_ =	shalt  }
0x6a: {  	_ =	shalt  }
0x6b: {  	_ =	shalt  }
0x6c: {  	_ =	shalt  }
0x6d: {  	_ =	shalt  }
0x6e: {  	_ =	shalt  }
0x6f: {  	_ =	shalt  }
0x70: {  	_ =	shalt  }
0x71: {  	_ =	shalt  }
0x72: {  	_ =	shalt  }
0x73: {  	_ =	shalt  }
0x74: {  	_ =	shalt  }
0x75: {  	_ =	shalt  }
0x76: {  	_ =	shalt  }
0x77: {  	_ =	shalt  }
0x78: {  	_ =	shalt  }
0x79: {  	_ =	shalt  }
0x7a: {  	_ =	shalt  }
0x7b: {  	_ =	shalt  }
0x7c: {  	_ =	shalt  }
0x7d: {  	_ =	shalt  }
0x7e: {  	_ =	shalt  }
0x7f: {  	_ =	shalt  }
0x80: {  	_ =	shalt  }
0x81: {  	_ =	shalt  }
0x82: {  	_ =	shalt  }
0x83: {  	_ =	shalt  }
0x84: {  	_ =	shalt  }
0x85: {  	_ =	shalt  }
0x86: {  	_ =	shalt  }
0x87: {  	_ =	shalt  }
.Lfunc_end0:
.L_simem_size_0:
called_computation.1_lowered:
.L_overlay_start_0:
0x88: {  	s2 =	sld [smem:$0x3FD9]  }
0x89: {  	s3 =	sld [smem:$0x3FFE];
	_ =	sdelay $0x1  }
0x8a: {  	s1 =	srdreg.scid  }
0x8b: {  	s0 =	sand.u32 $0x1, s1  }
0x8c: {  	s17 =	sshll.u32 s0, $0xA;
	s2 =	sadd.s32 s3, s2  }
0x8d: {  	s2 =	sadd.s32 s2, s17  }
0x8e: {  	[smem:$0x3FBF] =	sst s2  }
0x8f: {  	_ = 	snop  }
0x90: {  	s18 =	sld [smem:$0x3FD0];
	(tm) =	ssettm $0x1  }
0x91: {  	s19 =	sld [smem:$0x3FFB];
	_ =	sdelay $0x3  }
0x92: {  	_ =	strace s19  }
0x93: {  	s2 =	sld [smem:$0x3FFC];
	_ =	sdelay $0x3  }
0x94: {  	_ =	strace s2  }
0x95: {  	s2 =	sld [smem:$0x3FFD];
	_ =	sdelay $0x3  }
0x96: {  	_ =	strace s2  }
0x97: {  	_ =	strace $0x8FFFFFFF  }
0x98: {  	s20 =	sld [smem:$0x3FDB];
	_ =	sdelay $0x1  }
0x99: {  	s4 =	simm.s32 $_scs_section_size  }
0x9a: {  	s5 =	simm.s32 $_size__tile_overlayer_lowered;
	s6 =	simm.s32 $_tile_overlayer_lowered  }
0x9b: {  	s7 =	simm.s32 $0x1BFF;
	s21 =	sshll.u32 s6, $0x1;
	s4 =	sadd.s32 s4, s20  }
0x9c: {  	s22 =	simm.s32 $0x0;
	s5 =	sshll.u32 s5, $0x1;
	s6 =	sadd.s32 s21, s4  }
0x9d: {  	[timem:s22], [sflag:s7] =	dma.local [hbm:s6], s5  }
0x9e: {  	_ =	swait.ge [sflag:s7], s5  }
0x9f: {  	s5 =	ssub.s32 $0x0, s5;
	[sflag:s7] =	ssyncset.done $0x0  }
0xa0: {  	[sflag:s7] =	ssyncadd.s32 s5;
	_ =	sdelay $0x1  }
0xa1: {  	s23 =	simm.s32 $0x1B8B  }
0xa2: {  	_ =	swait.ge [sflag:s23], $0x1  }
0xa3: {  	[sflag:s23] =	ssyncset.done $0x0  }
0xa4: {  	[sflag:s23] =	ssyncadd.s32 $0xFFFFFFFF  }
0xa5: {  	s5 =	sld [smem:$0x0]  }
0xa6: {  	s6 =	sand.u32 $0xFFFFFFFE, s1  }
0xa7: {  	p0 =	sne.s32 s1, s6  }
0xa8: {  	s6 =	sshll.u32 @p0 s6, $0xE  }
0xa9: {  	s6 =	sadd.s32 @p0 $0x11B8D, s6;
	s7 =	sshll.u32 @p0 s5, $0x11  }
0xaa: {  	s6 =	sor.u32 @p0 s7, s6  }
0xab: {  	[sflag:s6] =	ssyncadd.remote.s32 @p0 $0x1;
	_ =	sdelay $0x1  }
0xac: {  	s6 =	simm.s32 @p0 $0x1B8D  }
0xad: {  	_ =	swait.eq @p0 [sflag:s6], $0x1  }
0xae: {  	[sflag:s6] =	ssyncadd.s32 @p0 $0xFFFFFFFF  }
0xaf: {  	s7 =	sshll.u32 @!p0 s1, $0xE  }
0xb0: {  	s7 =	sor.u32 @!p0 $0x4000, s7;
	s6 =	simm.s32 @!p0 $0x1B8D  }
0xb1: {  	s5 =	sshll.u32 @!p0 s5, $0x11;
	s7 =	sadd.s32 @!p0 $0x11B8D, s7;
	_ =	swait.eq @!p0 [sflag:s6], $0x1  }
0xb2: {  	s5 =	sor.u32 @!p0 s5, s7;
	[sflag:s6] =	ssyncadd.s32 @!p0 $0xFFFFFFFF  }
0xb3: {  	s25 =	simm.s32 $0x1B8E;
	s24 =	sld [smem:$0x3FFE];
	[sflag:s5] =	ssyncadd.remote.s32 @!p0 $0x1  }
0xb4: {  	s26 =	simm.s32 $execute0_lowered;
	[smem:$0x3FD2] =	sst s25  }
0xb5: {  	s6 =	sshll.u32 s26, $0x1;
	_ =	strace $0x80000049;
	[dreg:$0x1] =	wrdreg $0xFFFFFFFF  }
0xb6: {  	s28 =	simm.s32 $_size_execute0_lowered;
	s4 =	sadd.s32 s4, s6;
	[dreg:$0x0] =	wrdreg $0x0  }
0xb7: {  	s6 =	sshll.u32 s28, $0x1;
	[dreg:$0x2] =	wrdreg s4  }
0xb8: {  	[dreg:$0x3] =	wrdreg s6  }
0xb9: {  	[dreg:$0x4] =	wrdreg $0xC0  }
0xba: {  	_ =	task [dreg:s22], $0x5FFFF  }
0xbb: {  	[dreg:$0x1] =	wrdreg $0xFFFFFFFF  }
0xbc: {  	[dreg:$0x0] =	wrdreg $0x60  }
0xbd: {  	[dreg:$0x2] =	wrdreg s18  }
0xbe: {  	[dreg:$0x3] =	wrdreg s24  }
0xbf: {  	[dreg:$0x4] =	wrdreg $0x0  }
0xc0: {  	[dreg:$0x5] =	wrdreg $0xA  }
0xc1: {  	_ =	task.clear_ibuf [dreg:s22], $0x6FFFF;
	_ =	strace $0x90000049  }
0xc2: {  	s29 =	simm.s32 $0xA;
	_ =	strace $0x8000004B  }
0xc3: {  	_ =	swait.ge [sflag:s29], $0x1  }
0xc4: {  	[sflag:s29] =	ssyncadd.s32 $0xFFFFFFFF  }
0xc5: {  	_ =	strace $0x9000004B  }
0xc6: {  	_ =	sfence  }
0xc7: {  	s30 =	sld [smem:$0x0];
	_ =	sdelay $0x2  }
0xc8: {  	s31 =	sshll.u32 s1, $0xD;
	s1 =	sshrl.u32 s1, $0x2  }
0xc9: {  	s4 =	sand.u32 $0x4000, s31;
	s1 =	sadd.s32 s1, s30  }
0xca: {  	s0 =	sor.u32 s4, s0;
	s1 =	sshll.u32 s1, $0x11  }
0xcb: {  	s0 =	sor.u32 s1, s0  }
0xcc: {  	s0 =	sadd.s32 $0x8F2B, s0  }
0xcd: {  	[sflag:s0] =	ssyncadd.remote.s32 $0x1  }
0xce: {  	_ =	sfence.sel $0xFFFF  }
0xcf: {  	[dreg:$0x0] =	wrdreg $0xFFFFFFFF;
	(pc) =	sbr.abs _section_cstart, $3  }
0xd0: {  	[dreg:$0x1] =	wrdreg $0xFFFFFFFF  }
0xd1: {  	_ =	task.clear_ibuf [dreg:s22], $0x2FFFF;
	_ =	strace $0x9FFFFFFF  }
0xd2: {  	(tm) =	ssettm $0x7FFFFFFF  }
0xd3: {  	_ =	shalt  }
tec
execute0_lowered:
.L_overlay_start_1:
0x0: {  	(tag) =	ssettag $0x1  }
0x1: {  	s1 =	rddreg [dreg:$0x0]  }
0x2: {  	s0 =	rddreg [dreg:$0x1]  }
0x3: {  	s2 =	rddreg [dreg:$0x2]  }
0x4: {  	s4 =	srdreg.scid;
	s19 =	stileid.u32  }
0x5: {  	s3 =	simm.s32 $0x0;
	s20 =	simm.s32 $0x2;
	s8 =	smul.u32 $0x50000, s19  }
0x6: {  	s21 =	simm.s32 $0x14000;
	s4 =	sand.u32 $0x1, s4;
	s11 =	smul.u32 $0x14000, s19  }
0x7: {  	[smem:$0x7FF] =	sst s3;
	s10 =	sshll.u32 s19, $0x6;
	s19 =	smul.u32 $0x4F0, s19  }
0x8: {  	s5 =	smul.u32 $0x4F00, s4;
	_ =	strace $0x8000004A;
	s7 =	ssub.s32 $0x2, s4  }
0x9: {  	s4 =	smul.u32 $0x140000, s4;
	s9 =	sshrl.u32 s7, $0x1;
	s8 =	sshrl.u32 s8, $0x2  }
0xa: {  	s12 =	sadd.s32 $0x4000, s11;
	s13 =	sadd.s32 $0x8000, s11;
	s14 =	sadd.s32 $0xC000, s11  }
0xb: {  	s15 =	sadd.s32 $0x10000, s11;
	s6 =	sadd.s32 s5, s0;
	s5 =	sadd.s32 $0x17200, s0  }
0xc: {  	s0 =	sadd.s32 $0x71800, s0;
	s17 =	ssub.s32 s7, s9;
	s22 =	sadd.s32 s8, s2  }
0xd: {  	s7 =	sor.u32 $0x1C02, s10;
	s23 =	sadd.s32 s12, s2;
	s24 =	sadd.s32 s13, s2  }
0xe: {  	s25 =	sadd.s32 s14, s2;
	s16 =	sadd.s32 s11, s4;
	[dreg:$0x4] =	wrdreg s22  }
0xf: {  	s11 =	sadd.s32 s15, s2;
	s18 =	sadd.s32 s4, s12;
	[dreg:$0x5] =	wrdreg s23  }
0x10: {  	s28 =	sadd.s32 s4, s13;
	s14 =	sadd.s32 s4, s14;
	[dreg:$0x6] =	wrdreg s24  }
0x11: {  	s4 =	sadd.s32 s4, s15;
	[dreg:$0x7] =	wrdreg s25;
	s16 =	sshrl.u32 s16, $0x3  }
0x12: {  	s26 =	sshrl.u32 s18, $0x3;
	s29 =	sshrl.u32 s28, $0x3;
	s30 =	sshrl.u32 s14, $0x3  }
0x13: {  	s4 =	sshrl.u32 s4, $0x3;
	s17 =	smax.u32 s17, $0x1;
	s31 =	sadd.s32 s19, s6  }
0x14: {  	s22 =	simm.s32 $0x14080;
	s23 =	simm.s32 $0x80;
	s24 =	simm.s32 $0x14100  }
0x15: {  	s25 =	simm.s32 $0x1;
	s12 =	sadd.s32 s0, s16;
	s13 =	sadd.s32 s0, s26  }
0x16: {  	s14 =	sadd.s32 s0, s29;
	s15 =	sadd.s32 s0, s30;
	s16 =	sadd.s32 s0, s4  }
0x17: {  	s18 =	sadd.s32 $0xD400, s31;
	s19 =	sadd.s32 $0x67A00, s31;
	s26 =	simm.s32 $0x0  }
.LBB2_1:
0x18: {  	s0 =	rddreg [dreg:$0x4]  }
0x19: {  	s28 =	sshrl.u32 s0, $0x3  }
0x1a: {  	[spmem:s28], [sflag:s7] =	dma.local [hbm:s5], $0x800  }
0x1b: {  	_ =	swait.ge [sflag:s20], $0x800  }
0x1c: {  	[sflag:s20] =	ssyncset.done $0x0;
	s6 =	rddreg [dreg:$0x5]  }
0x1d: {  	[sflag:s20] =	ssyncadd.s32 $0xFFFFF800;
	s29 =	sshrl.u32 s6, $0x3  }
0x1e: {  	[spmem:s29], [sflag:s7] =	dma.local [hbm:s5], $0x800  }
0x1f: {  	_ =	swait.ge [sflag:s20], $0x800  }
0x20: {  	[sflag:s20] =	ssyncset.done $0x0;
	s8 =	rddreg [dreg:$0x6]  }
0x21: {  	[sflag:s20] =	ssyncadd.s32 $0xFFFFF800;
	s30 =	sshrl.u32 s8, $0x3  }
0x22: {  	[spmem:s30], [sflag:s7] =	dma.local [hbm:s5], $0x800  }
0x23: {  	_ =	swait.ge [sflag:s20], $0x800  }
0x24: {  	[sflag:s20] =	ssyncset.done $0x0;
	s9 =	rddreg [dreg:$0x7]  }
0x25: {  	[sflag:s20] =	ssyncadd.s32 $0xFFFFF800;
	s31 =	sshrl.u32 s9, $0x3  }
0x26: {  	[spmem:s31], [sflag:s7] =	dma.local [hbm:s5], $0x800  }
0x27: {  	_ =	swait.ge [sflag:s20], $0x800  }
0x28: {  	[sflag:s20] =	ssyncset.done $0x0  }
0x29: {  	s0 =	sshrl.u32 s11, $0x3;
	[sflag:s20] =	ssyncadd.s32 $0xFFFFF800  }
0x2a: {  	[spmem:s0], [sflag:s7] =	dma.local [hbm:s5], $0x800  }
0x2b: {  	_ =	swait.ge [sflag:s20], $0x800  }
0x2c: {  	[sflag:s20] =	ssyncset.done $0x0  }
0x2d: {  	[sflag:s20] =	ssyncadd.s32 $0xFFFFF800  }
0x2e: {  	s4 =	sadd.s32 $0x0, s19;
	[bflag:$0x0] =	sbarrier.arrive $0xFFFF  }
0x2f: {  	[tilespmem:s21], [sflag:$0x2] =	stream.linear.gather [hbm4b:s4+s3], $0x80, $0x38;
	[tilespmem:$0x18100] =	vst v63  }
0x30: {  	_ =	swait.ge [sflag:s20], $0x80  }
0x31: {  	[sflag:s20] =	ssyncset.done $0x0  }
0x32: {  	s10 =	sadd.s32 $0x0, s18;
	[sflag:s20] =	ssyncadd.s32 $0xFFFFFF80  }
0x33: {  	[tilespmem:s22], [sflag:$0x2] =	stream.linear.gather [hbm4b:s10+s3], $0x80, $0x38;
	[tilespmem:$0x18100] =	vst v63  }
0x34: {  	_ =	swait.ge [sflag:s20], $0x80  }
0x35: {  	[sflag:s20] =	ssyncset.done $0x0  }
0x36: {  	[sflag:s20] =	ssyncadd.s32 $0xFFFFFF80  }
0x37: {  	[tilespmem:s24], [sflag:$0x1] =	stream.indirect.gather [hbm4b:s1+s23], $0x80, s21, s23, $0xb8;
	[tilespmem:$0x18100] =	vst v63  }
0x38: {  	_ =	swait.ge [sflag:s25], $0x4000  }
0x39: {  	[sflag:s25] =	ssyncset.done $0x0  }
0x3a: {  	[sflag:s25] =	ssyncadd.s32 $0xFFFFC000  }
0x3b: {  	[spmem:s2] =	stream.indirect.scatter.add.f32 [tilespmem:s24], [sflag:$0x2], $0x80, s22, s23, $0xb8;
	[tilespmem:$0x18100] =	vst v63  }
0x3c: {  	_ =	swait.ge [sflag:s20], $0x4000  }
0x3d: {  	s6 =	simm.s32 $0x20;
	s4 =	simm.s32 $0x10;
	[sflag:s20] =	ssyncset.done $0x0  }
.LBB2_2:
0x3e: {  	s8 =	sadd.s32 s4, s19  }
0x3f: {  	[sflag:s20] =	ssyncadd.s32 $0xFFFFC000;
	s9 =	smov.u32 s6;
	s10 =	sadd.s32 $0x10, s6  }
0x40: {  	[tilespmem:s21], [sflag:$0x2] =	stream.linear.gather [hbm4b:s8+s3], $0x80, $0x38;
	[tilespmem:$0x18100] =	vst v63  }
0x41: {  	p0 =	sne.s32 s6, $0x4E0;
	_ =	swait.ge [sflag:s20], $0x80  }
0x42: {  	[sflag:s20] =	ssyncset.done $0x0  }
0x43: {  	s6 =	sadd.s32 s4, s18;
	s4 =	smov.u32 s9;
	[sflag:s20] =	ssyncadd.s32 $0xFFFFFF80  }
0x44: {  	[tilespmem:s22], [sflag:$0x2] =	stream.linear.gather [hbm4b:s6+s3], $0x80, $0x38;
	[tilespmem:$0x18100] =	vst v63  }
0x45: {  	_ =	swait.ge [sflag:s20], $0x80  }
0x46: {  	[sflag:s20] =	ssyncset.done $0x0  }
0x47: {  	[sflag:s20] =	ssyncadd.s32 $0xFFFFFF80  }
0x48: {  	[tilespmem:s24], [sflag:$0x1] =	stream.indirect.gather [hbm4b:s1+s23], $0x80, s21, s23, $0xb8;
	[tilespmem:$0x18100] =	vst v63  }
0x49: {  	_ =	swait.ge [sflag:s25], $0x4000  }
.Ltmp0:
0x4a: {  	[sflag:s25] =	ssyncset.done $0x0;
	(pc) =	sbr.rel @p0 .LBB2_2-.Ltmp0, $4  }
0x4b: {  	[sflag:s25] =	ssyncadd.s32 $0xFFFFC000  }
0x4c: {  	[spmem:s2] =	stream.indirect.scatter.add.f32 [tilespmem:s24], [sflag:$0x2], $0x80, s22, s23, $0xb8;
	[tilespmem:$0x18100] =	vst v63  }
0x4d: {  	_ =	swait.ge [sflag:s20], $0x4000  }
0x4e: {  	s6 =	smov.u32 s10;
	[sflag:s20] =	ssyncset.done $0x0  }
0x4f: {  	s6 =	sadd.s32 s4, s19;
	[sflag:s20] =	ssyncadd.s32 $0xFFFFC000  }
0x50: {  	[tilespmem:s21], [sflag:$0x2] =	stream.linear.gather [hbm4b:s6+s3], $0x80, $0x38;
	[tilespmem:$0x18100] =	vst v63  }
0x51: {  	_ =	swait.ge [sflag:s20], $0x80  }
0x52: {  	[sflag:s20] =	ssyncset.done $0x0  }
0x53: {  	s10 =	sadd.s32 s4, s18;
	[sflag:s20] =	ssyncadd.s32 $0xFFFFFF80  }
0x54: {  	[tilespmem:s22], [sflag:$0x2] =	stream.linear.gather [hbm4b:s10+s3], $0x80, $0x38;
	[tilespmem:$0x18100] =	vst v63  }
0x55: {  	_ =	swait.ge [sflag:s20], $0x80  }
0x56: {  	[sflag:s20] =	ssyncset.done $0x0  }
0x57: {  	[sflag:s20] =	ssyncadd.s32 $0xFFFFFF80  }
0x58: {  	[tilespmem:s24], [sflag:$0x1] =	stream.indirect.gather [hbm4b:s1+s23], $0x80, s21, s23, $0xb8;
	[tilespmem:$0x18100] =	vst v63  }
0x59: {  	_ =	swait.ge [sflag:s25], $0x4000  }
0x5a: {  	[sflag:s25] =	ssyncset.done $0x0  }
0x5b: {  	[sflag:s25] =	ssyncadd.s32 $0xFFFFC000  }
0x5c: {  	[spmem:s2] =	stream.indirect.scatter.add.f32 [tilespmem:s24], [sflag:$0x2], $0x80, s22, s23, $0xb8;
	[tilespmem:$0x18100] =	vst v63  }
0x5d: {  	_ =	swait.ge [sflag:s20], $0x4000  }
0x5e: {  	[sflag:s20] =	ssyncset.done $0x0  }
0x5f: {  	[sflag:s20] =	ssyncadd.s32 $0xFFFFC000  }
0x60: {  	[bflag:$0x0] =	sbarrier.arrive $0xFFFF  }
0x61: {  	[hbm:s12], [sflag:s7] =	dma.local [spmem:s28], $0x800  }
0x62: {  	_ =	swait.ge [sflag:s20], $0x800  }
0x63: {  	[sflag:s20] =	ssyncset.done $0x0  }
0x64: {  	[sflag:s20] =	ssyncadd.s32 $0xFFFFF800  }
0x65: {  	[hbm:s13], [sflag:s7] =	dma.local [spmem:s29], $0x800  }
0x66: {  	_ =	swait.ge [sflag:s20], $0x800  }
0x67: {  	[sflag:s20] =	ssyncset.done $0x0  }
0x68: {  	[sflag:s20] =	ssyncadd.s32 $0xFFFFF800  }
0x69: {  	[hbm:s14], [sflag:s7] =	dma.local [spmem:s30], $0x800  }
0x6a: {  	_ =	swait.ge [sflag:s20], $0x800  }
0x6b: {  	[sflag:s20] =	ssyncset.done $0x0  }
0x6c: {  	[sflag:s20] =	ssyncadd.s32 $0xFFFFF800  }
0x6d: {  	[hbm:s15], [sflag:s7] =	dma.local [spmem:s31], $0x800  }
0x6e: {  	s26 =	sadd.s32 $0x1, s26;
	_ =	swait.ge [sflag:s20], $0x800  }
0x6f: {  	p0 =	sne.s32 s26, s17;
	[sflag:s20] =	ssyncset.done $0x0  }
.Ltmp1:
0x70: {  	[sflag:s20] =	ssyncadd.s32 $0xFFFFF800;
	(pc) =	sbr.rel @p0 .LBB2_1-.Ltmp1, $4  }
0x71: {  	[hbm:s16], [sflag:s7] =	dma.local [spmem:s0], $0x800  }
0x72: {  	_ =	swait.ge [sflag:s20], $0x800  }
0x73: {  	[sflag:s20] =	ssyncset.done $0x0  }
0x74: {  	[sflag:s20] =	ssyncadd.s32 $0xFFFFF800  }
0x75: {  	_ =	sfence.sel $0x180000  }
0x76: {  	[bflag:$0x0] =	sbarrier.arrive $0xFFFF  }
0x77: {  	_ =	strace $0x9000004A  }
0x78: {  	s0 =	stileid.u32;
	[bflag:$0x2] =	sbarrier.arrive $0xFFFF  }
0x79: {  	p0 =	sne.s32 s0, $0x0;
	s0 =	rddreg [dreg:$0x3]  }
0x7a: {  	s0 =	sadd.s32 @!p0 $0x100000, s0  }
0x7b: {  	[sflag:s0] =	ssyncadd.tile.s32 @!p0 $0x1;
	_ =	shalt  }
.Lfunc_end2:
_tile_overlayer_lowered:
.L_overlay_start_2:
0x7c: {  	(tag) =	ssettag $0x2  }
0x7d: {  	s0 =	rddreg [dreg:$0x0];
	s2 =	stileid.u32  }
0x7e: {  	s1 =	rddreg [dreg:$0x1];
	p0 =	sne.s32 s2, $0x0  }
0x7f: {  	s3 =	rddreg [dreg:$0x2];
	[bflag:$0x3] =	sbarrier.arrive $0xFFFF;
	s2 =	simm.s32 @!p0 $0x1C02  }
0x80: {  	[timem:s3], [sflag:s2] =	dma.local @!p0 [hbm:s0], s1  }
0x81: {  	s0 =	simm.s32 @!p0 $0x2  }
0x82: {  	_ =	swait.ge @!p0 [sflag:s0], s1  }
0x83: {  	s1 =	ssub.s32 @!p0 $0x0, s1;
	[sflag:s0] =	ssyncset.done @!p0 $0x0  }
0x84: {  	[sflag:s0] =	ssyncadd.s32 @!p0 s1  }
0x85: {  	[bflag:$0x3] =	sbarrier.arrive $0xFFFF  }
0x86: {  	_ =	shalt  }

// kernel: kernel.18.cloned.1.call-start
scs
__scs_entry_jumppad:
0x0: {  	(pc) =	sbr.rel $0x88, $3  }
0x1: {  	(tag) =	ssettag $0x0;
	lr =	simm.s32 $0x1  }
0x2: {  	[smem:$0x3F98] =	sst lr;
	_ =	strace $0xD0000000  }
0x3: {  	_ = 	snop  }
0x4: {  	_ = 	snop  }
0x5: {  	_ = 	snop  }
0x6: {  	_ = 	snop  }
0x7: {  	_ = 	snop  }
__scs_overlays_trampoline_lowered:
0x8: {  	[smem:$0x3FA7] =	sst s0  }
0x9: {  	[smem:$0x3FA8] =	sst s1  }
0xa: {  	[smem:$0x3FA9] =	sst s2  }
0xb: {  	[smem:$0x3FAA] =	sst s3  }
0xc: {  	[smem:$0x3FAB] =	sst s4  }
0xd: {  	[smem:$0x3FAC] =	sst s5  }
0xe: {  	[smem:$0x3FAD] =	sst s6  }
0xf: {  	[smem:$0x3FAE] =	sst s7  }
0x10: {  	[smem:$0x3FAF] =	sst s8  }
0x11: {  	[smem:$0x3FB0] =	sst s9;
	s0 =	simm.s32 @!p0 $0x0  }
0x12: {  	s1 =	sld [smem:$0x3F96];
	s0 =	simm.s32 @p0 $0x1  }
0x13: {  	[smem:$0x3FB1] =	sst s0;
	s0 =	simm.s32 @!p1 $0x0  }
0x14: {  	s2 =	sld [smem:$0x3F95];
	s0 =	simm.s32 @p1 $0x1  }
0x15: {  	[smem:$0x3FB2] =	sst s0;
	s0 =	simm.s32 @!p2 $0x0  }
0x16: {  	s3 =	sld [smem:$0x3FDB];
	s0 =	simm.s32 @p2 $0x1  }
0x17: {  	s4 =	simm.s32 $0x1BF5;
	[smem:$0x3FB4] =	sst s0  }
0x18: {  	s0 =	sld [smem:$0x3F97];
	_ =	swait.ge [sflag:s4], $0x0  }
0x19: {  	s7 =	sld [smem:$0x3F98]  }
0x1a: {  	s8 =	sadd.s32 $0xFFFFE003, lr  }
0x1b: {  	s9 =	sadd.s32 $0xFFFFFEF7, lr;
	s5 =	simm.s32 $0xFFFFFFFF;
	p2 =	slt.u32 s8, $0xFFFFF086  }
0x1c: {  	p1 =	slt.u32 s9, $0xF7A;
	s5 =	simm.s32 @!p2 $0x0  }
0x1d: {  	s5 =	simm.s32 @p1 $0x1;
	p0 =	seq.s32 s7, s2  }
0x1e: {  	s7 =	smul.u32 @!p0 $0xF7A, s2;
	p2 =	seq.s32 @!p0 s5, $0x0  }
0x1f: {  	s9 =	smul.u32 $0xF7A, s1;
	s8 =	simm.s32 @!p0 $0x1BF5;
	p2 =	por !p2, p0  }
0x20: {  	[sflag:s8] =	ssyncset.s32 @!p0 $0xFFFFF086;
	s6 =	sadd.s32 @!p0 s3, s7;
	s7 =	simm.s32 @!p0 $0x108  }
0x21: {  	s3 =	sadd.s32 s3, s9;
	s6 =	sadd.s32 @!p0 $0x88, s6;
	s7 =	simm.s32 @p2 $0x1082  }
0x22: {  	[simem:s7], [sflag:s8] =	dma.local @!p0 [hbm:s6], $0xF7A  }
0x23: {  	s9 =	sor.u32 $0xD0000000, s2;
	s6 =	simm.s32 $0x108;
	_ =	swait.ge @!p0 [sflag:s8], $0x0  }
0x24: {  	s3 =	sadd.s32 $0x88, s3;
	s6 =	simm.s32 @!p1 $0x1082;
	[sflag:s4] =	ssyncset.s32 $0xFFFFF086  }
0x25: {  	[simem:s6], [sflag:s4] =	dma.local [hbm:s3], $0xF7A  }
0x26: {  	[smem:$0x3F98] =	sst s1;
	(tag) =	ssettag s2;
	_ =	strace s9  }
0x27: {  	s1 =	sld [smem:$0x3FA8]  }
0x28: {  	s2 =	sld [smem:$0x3FA9]  }
0x29: {  	s4 =	sld [smem:$0x3FAB]  }
0x2a: {  	p0 =	seq.s32 s5, $0x0;
	s5 =	sld [smem:$0x3FAC]  }
0x2b: {  	s6 =	sld [smem:$0x3FAD]  }
0x2c: {  	s7 =	sld [smem:$0x3FAE]  }
0x2d: {  	s3 =	simm.s32 $0x108;
	s8 =	sld [smem:$0x3FAF]  }
0x2e: {  	s3 =	simm.s32 @!p0 $0x1082;
	s9 =	sld [smem:$0x3FB0]  }
0x2f: {  	lr =	sadd.s32 s0, s3;
	s0 =	sld [smem:$0x3FA7]  }
0x30: {  	s3 =	sld [smem:$0x3FAA]  }
0x31: {  	[smem:$0x3FB3] =	sst s10  }
0x32: {  	s10 =	sld [smem:$0x3FB1];
	_ =	sdelay $0x3  }
0x33: {  	p0 =	seq.s32 s10, $0x1;
	s10 =	sld [smem:$0x3FB3];
	_ =	sdelay $0x3  }
0x34: {  	[smem:$0x3FB3] =	sst s10  }
0x35: {  	s10 =	sld [smem:$0x3FB2];
	_ =	sdelay $0x3  }
0x36: {  	p1 =	seq.s32 s10, $0x1;
	s10 =	sld [smem:$0x3FB3];
	_ =	sdelay $0x3  }
0x37: {  	[smem:$0x3FB3] =	sst s10  }
0x38: {  	s10 =	sld [smem:$0x3FB4]  }
0x39: {  	_ = 	snop;
	(pc) =	sbr.ind lr, $3  }
0x3a: {  	_ = 	snop  }
0x3b: {  	_ = 	snop  }
0x3c: {  	p2 =	seq.s32 s10, $0x1;
	s10 =	sld [smem:$0x3FB3]  }
0x3d: {  	_ =	shalt  }
0x3e: {  	_ =	shalt  }
0x3f: {  	_ =	shalt  }
0x40: {  	_ =	shalt  }
0x41: {  	_ =	shalt  }
0x42: {  	_ =	shalt  }
0x43: {  	_ =	shalt  }
0x44: {  	_ =	shalt  }
0x45: {  	_ =	shalt  }
0x46: {  	_ =	shalt  }
0x47: {  	_ =	shalt  }
0x48: {  	_ =	shalt  }
0x49: {  	_ =	shalt  }
0x4a: {  	_ =	shalt  }
0x4b: {  	_ =	shalt  }
0x4c: {  	_ =	shalt  }
0x4d: {  	_ =	shalt  }
0x4e: {  	_ =	shalt  }
0x4f: {  	_ =	shalt  }
0x50: {  	_ =	shalt  }
0x51: {  	_ =	shalt  }
0x52: {  	_ =	shalt  }
0x53: {  	_ =	shalt  }
0x54: {  	_ =	shalt  }
0x55: {  	_ =	shalt  }
0x56: {  	_ =	shalt  }
0x57: {  	_ =	shalt  }
0x58: {  	_ =	shalt  }
0x59: {  	_ =	shalt  }
0x5a: {  	_ =	shalt  }
0x5b: {  	_ =	shalt  }
0x5c: {  	_ =	shalt  }
0x5d: {  	_ =	shalt  }
0x5e: {  	_ =	shalt  }
0x5f: {  	_ =	shalt  }
0x60: {  	_ =	shalt  }
0x61: {  	_ =	shalt  }
0x62: {  	_ =	shalt  }
0x63: {  	_ =	shalt  }
0x64: {  	_ =	shalt  }
0x65: {  	_ =	shalt  }
0x66: {  	_ =	shalt  }
0x67: {  	_ =	shalt  }
0x68: {  	_ =	shalt  }
0x69: {  	_ =	shalt  }
0x6a: {  	_ =	shalt  }
0x6b: {  	_ =	shalt  }
0x6c: {  	_ =	shalt  }
0x6d: {  	_ =	shalt  }
0x6e: {  	_ =	shalt  }
0x6f: {  	_ =	shalt  }
0x70: {  	_ =	shalt  }
0x71: {  	_ =	shalt  }
0x72: {  	_ =	shalt  }
0x73: {  	_ =	shalt  }
0x74: {  	_ =	shalt  }
0x75: {  	_ =	shalt  }
0x76: {  	_ =	shalt  }
0x77: {  	_ =	shalt  }
0x78: {  	_ =	shalt  }
0x79: {  	_ =	shalt  }
0x7a: {  	_ =	shalt  }
0x7b: {  	_ =	shalt  }
0x7c: {  	_ =	shalt  }
0x7d: {  	_ =	shalt  }
0x7e: {  	_ =	shalt  }
0x7f: {  	_ =	shalt  }
0x80: {  	_ =	shalt  }
0x81: {  	_ =	shalt  }
0x82: {  	_ =	shalt  }
0x83: {  	_ =	shalt  }
0x84: {  	_ =	shalt  }
0x85: {  	_ =	shalt  }
0x86: {  	_ =	shalt  }
0x87: {  	_ =	shalt  }
.Lfunc_end0:
.L_simem_size_0:
called_computation.2_lowered:
.L_overlay_start_0:
0x88: {  	s2 =	sld [smem:$0x3FD9]  }
0x89: {  	s3 =	sld [smem:$0x3FFE];
	_ =	sdelay $0x1  }
0x8a: {  	s1 =	srdreg.scid  }
0x8b: {  	s0 =	sand.u32 $0x1, s1  }
0x8c: {  	s16 =	sshll.u32 s0, $0xA;
	s2 =	sadd.s32 s3, s2  }
0x8d: {  	s2 =	sadd.s32 s2, s16  }
0x8e: {  	[smem:$0x3FBF] =	sst s2  }
0x8f: {  	_ = 	snop  }
0x90: {  	(tm) =	ssettm $0x1  }
0x91: {  	s17 =	sld [smem:$0x3FFB];
	_ =	sdelay $0x3  }
0x92: {  	_ =	strace s17  }
0x93: {  	s2 =	sld [smem:$0x3FFC];
	_ =	sdelay $0x3  }
0x94: {  	_ =	strace s2  }
0x95: {  	s2 =	sld [smem:$0x3FFD];
	_ =	sdelay $0x3  }
0x96: {  	_ =	strace s2  }
0x97: {  	_ =	strace $0x8FFFFFFF  }
0x98: {  	s18 =	sld [smem:$0x3FDB];
	_ =	sdelay $0x1  }
0x99: {  	s19 =	simm.s32 $_scs_section_size  }
0x9a: {  	s4 =	simm.s32 $_size__tile_overlayer_lowered;
	s5 =	simm.s32 $_tile_overlayer_lowered  }
0x9b: {  	s22 =	simm.s32 $0x1BFF;
	s21 =	sshll.u32 s5, $0x1;
	s2 =	sadd.s32 s19, s18  }
0x9c: {  	s6 =	simm.s32 $0x0;
	s20 =	sshll.u32 s4, $0x1;
	s4 =	sadd.s32 s21, s2  }
0x9d: {  	[timem:s6], [sflag:s22] =	dma.local [hbm:s4], s20  }
0x9e: {  	_ =	swait.ge [sflag:s22], s20  }
0x9f: {  	s3 =	ssub.s32 $0x0, s20;
	[sflag:s22] =	ssyncset.done $0x0  }
0xa0: {  	[sflag:s22] =	ssyncadd.s32 s3;
	_ =	sdelay $0x1  }
0xa1: {  	s23 =	simm.s32 $0x1B8B  }
0xa2: {  	_ =	swait.ge [sflag:s23], $0x1  }
0xa3: {  	[sflag:s23] =	ssyncset.done $0x0  }
0xa4: {  	s25 =	simm.s32 $0x1B8E;
	s24 =	sld [smem:$0x3FFE];
	[sflag:s23] =	ssyncadd.s32 $0xFFFFFFFF  }
0xa5: {  	s26 =	simm.s32 $execute0_lowered;
	[smem:$0x3FD2] =	sst s25  }
0xa6: {  	s4 =	sshll.u32 s26, $0x1;
	_ =	strace $0x8000004C;
	[dreg:$0x1] =	wrdreg $0xFFFFFFFF  }
0xa7: {  	s28 =	simm.s32 $_size_execute0_lowered;
	s2 =	sadd.s32 s2, s4;
	[dreg:$0x0] =	wrdreg $0x0  }
0xa8: {  	s4 =	sshll.u32 s28, $0x1;
	[dreg:$0x2] =	wrdreg s2  }
0xa9: {  	[dreg:$0x3] =	wrdreg s4  }
0xaa: {  	[dreg:$0x4] =	wrdreg $0xC0  }
0xab: {  	_ =	task [dreg:s6], $0x5FFFF  }
0xac: {  	[dreg:$0x1] =	wrdreg $0xFFFFFFFF  }
0xad: {  	[dreg:$0x0] =	wrdreg $0x60  }
0xae: {  	[dreg:$0x2] =	wrdreg s24  }
0xaf: {  	[dreg:$0x3] =	wrdreg $0x0  }
0xb0: {  	[dreg:$0x4] =	wrdreg $0x9  }
0xb1: {  	_ =	task.clear_ibuf [dreg:s6], $0x5FFFF;
	_ =	strace $0x9000004C  }
0xb2: {  	s29 =	simm.s32 $0x9;
	_ =	strace $0x8000004E  }
0xb3: {  	_ =	swait.ge [sflag:s29], $0x1  }
0xb4: {  	[sflag:s29] =	ssyncadd.s32 $0xFFFFFFFF  }
0xb5: {  	_ =	strace $0x9000004E  }
0xb6: {  	_ =	sfence  }
0xb7: {  	s30 =	sld [smem:$0x0];
	_ =	sdelay $0x2  }
0xb8: {  	s31 =	sshll.u32 s1, $0xD;
	s1 =	sshrl.u32 s1, $0x2  }
0xb9: {  	s3 =	sand.u32 $0x4000, s31;
	s1 =	sadd.s32 s1, s30  }
0xba: {  	s0 =	sor.u32 s3, s0;
	s1 =	sshll.u32 s1, $0x11  }
0xbb: {  	s0 =	sor.u32 s1, s0  }
0xbc: {  	s0 =	sadd.s32 $0x8F2B, s0  }
0xbd: {  	[sflag:s0] =	ssyncadd.remote.s32 $0x1  }
0xbe: {  	_ =	sfence.sel $0xFFFF  }
0xbf: {  	[dreg:$0x0] =	wrdreg $0xFFFFFFFF;
	(pc) =	sbr.abs _section_cstart, $3  }
0xc0: {  	[dreg:$0x1] =	wrdreg $0xFFFFFFFF  }
0xc1: {  	_ =	task.clear_ibuf [dreg:s6], $0x2FFFF;
	_ =	strace $0x9FFFFFFF  }
0xc2: {  	(tm) =	ssettm $0x7FFFFFFF  }
0xc3: {  	_ =	shalt  }
tec
execute0_lowered:
.L_overlay_start_1:
0x0: {  	(tag) =	ssettag $0x1  }
0x1: {  	s0 =	rddreg [dreg:$0x0]  }
0x2: {  	s1 =	rddreg [dreg:$0x1]  }
0x3: {  	s3 =	srdreg.scid;
	s2 =	simm.s32 $0x0;
	s19 =	stileid.u32  }
0x4: {  	s20 =	simm.s32 $0x2;
	s21 =	simm.s32 $0x14000;
	s8 =	smul.u32 $0x50000, s19  }
0x5: {  	s3 =	sand.u32 $0x1, s3;
	[smem:$0x7FF] =	sst s2;
	s11 =	smul.u32 $0x14000, s19  }
0x6: {  	s4 =	sadd.s32 $0x17A00, s0;
	s10 =	sshll.u32 s19, $0x6;
	s19 =	smul.u32 $0x4F0, s19  }
0x7: {  	s5 =	smul.u32 $0x4F00, s3;
	_ =	strace $0x8000004D;
	s7 =	ssub.s32 $0x2, s3  }
0x8: {  	s3 =	smul.u32 $0x140000, s3;
	s9 =	sshrl.u32 s7, $0x1;
	s8 =	sshrl.u32 s8, $0x2  }
0x9: {  	s12 =	sadd.s32 $0x4000, s11;
	s13 =	sadd.s32 $0x8000, s11;
	s14 =	sadd.s32 $0xC000, s11  }
0xa: {  	s15 =	sadd.s32 $0x10000, s11;
	s6 =	sadd.s32 s5, s0;
	s5 =	sadd.s32 $0x17200, s0  }
0xb: {  	s0 =	sadd.s32 $0x71800, s0;
	s17 =	ssub.s32 s7, s9;
	s22 =	sadd.s32 s8, s1  }
0xc: {  	s7 =	sor.u32 $0x1C02, s10;
	s23 =	sadd.s32 s12, s1;
	s24 =	sadd.s32 s13, s1  }
0xd: {  	s25 =	sadd.s32 s14, s1;
	s16 =	sadd.s32 s11, s3;
	[dreg:$0x3] =	wrdreg s22  }
0xe: {  	s11 =	sadd.s32 s15, s1;
	s18 =	sadd.s32 s3, s12;
	[dreg:$0x4] =	wrdreg s23  }
0xf: {  	s28 =	sadd.s32 s3, s13;
	s14 =	sadd.s32 s3, s14;
	[dreg:$0x5] =	wrdreg s24  }
0x10: {  	s3 =	sadd.s32 s3, s15;
	[dreg:$0x6] =	wrdreg s25;
	s16 =	sshrl.u32 s16, $0x3  }
0x11: {  	s26 =	sshrl.u32 s18, $0x3;
	s29 =	sshrl.u32 s28, $0x3;
	s30 =	sshrl.u32 s14, $0x3  }
0x12: {  	s3 =	sshrl.u32 s3, $0x3;
	s17 =	smax.u32 s17, $0x1;
	s31 =	sadd.s32 s19, s6  }
0x13: {  	s22 =	simm.s32 $0x14080;
	s23 =	simm.s32 $0x80;
	s24 =	simm.s32 $0x14100  }
0x14: {  	s25 =	simm.s32 $0x1;
	s12 =	sadd.s32 s0, s16;
	s13 =	sadd.s32 s0, s26  }
0x15: {  	s14 =	sadd.s32 s0, s29;
	s15 =	sadd.s32 s0, s30;
	s16 =	sadd.s32 s0, s3  }
0x16: {  	s18 =	sadd.s32 $0xD400, s31;
	s19 =	sadd.s32 $0x67A00, s31;
	s26 =	simm.s32 $0x0  }
.LBB2_1:
0x17: {  	s0 =	rddreg [dreg:$0x3]  }
0x18: {  	s28 =	sshrl.u32 s0, $0x3  }
0x19: {  	[spmem:s28], [sflag:s7] =	dma.local [hbm:s5], $0x800  }
0x1a: {  	_ =	swait.ge [sflag:s20], $0x800  }
0x1b: {  	[sflag:s20] =	ssyncset.done $0x0;
	s6 =	rddreg [dreg:$0x4]  }
0x1c: {  	[sflag:s20] =	ssyncadd.s32 $0xFFFFF800;
	s29 =	sshrl.u32 s6, $0x3  }
0x1d: {  	[spmem:s29], [sflag:s7] =	dma.local [hbm:s5], $0x800  }
0x1e: {  	_ =	swait.ge [sflag:s20], $0x800  }
0x1f: {  	[sflag:s20] =	ssyncset.done $0x0;
	s8 =	rddreg [dreg:$0x5]  }
0x20: {  	[sflag:s20] =	ssyncadd.s32 $0xFFFFF800;
	s30 =	sshrl.u32 s8, $0x3  }
0x21: {  	[spmem:s30], [sflag:s7] =	dma.local [hbm:s5], $0x800  }
0x22: {  	_ =	swait.ge [sflag:s20], $0x800  }
0x23: {  	[sflag:s20] =	ssyncset.done $0x0;
	s9 =	rddreg [dreg:$0x6]  }
0x24: {  	[sflag:s20] =	ssyncadd.s32 $0xFFFFF800;
	s31 =	sshrl.u32 s9, $0x3  }
0x25: {  	[spmem:s31], [sflag:s7] =	dma.local [hbm:s5], $0x800  }
0x26: {  	_ =	swait.ge [sflag:s20], $0x800  }
0x27: {  	[sflag:s20] =	ssyncset.done $0x0  }
0x28: {  	s0 =	sshrl.u32 s11, $0x3;
	[sflag:s20] =	ssyncadd.s32 $0xFFFFF800  }
0x29: {  	[spmem:s0], [sflag:s7] =	dma.local [hbm:s5], $0x800  }
0x2a: {  	_ =	swait.ge [sflag:s20], $0x800  }
0x2b: {  	[sflag:s20] =	ssyncset.done $0x0  }
0x2c: {  	[sflag:s20] =	ssyncadd.s32 $0xFFFFF800  }
0x2d: {  	s3 =	sadd.s32 $0x0, s19;
	[bflag:$0x0] =	sbarrier.arrive $0xFFFF  }
0x2e: {  	[tilespmem:s21], [sflag:$0x2] =	stream.linear.gather [hbm4b:s3+s2], $0x80, $0x38;
	[tilespmem:$0x18100] =	vst v63  }
0x2f: {  	_ =	swait.ge [sflag:s20], $0x80  }
0x30: {  	[sflag:s20] =	ssyncset.done $0x0  }
0x31: {  	s10 =	sadd.s32 $0x0, s18;
	[sflag:s20] =	ssyncadd.s32 $0xFFFFFF80  }
0x32: {  	[tilespmem:s22], [sflag:$0x2] =	stream.linear.gather [hbm4b:s10+s2], $0x80, $0x38;
	[tilespmem:$0x18100] =	vst v63  }
0x33: {  	_ =	swait.ge [sflag:s20], $0x80  }
0x34: {  	[sflag:s20] =	ssyncset.done $0x0  }
0x35: {  	[sflag:s20] =	ssyncadd.s32 $0xFFFFFF80  }
0x36: {  	[tilespmem:s24], [sflag:$0x1] =	stream.indirect.gather [hbm4b:s4+s23], $0x80, s21, s23, $0xb8;
	[tilespmem:$0x18100] =	vst v63  }
0x37: {  	_ =	swait.ge [sflag:s25], $0x4000  }
0x38: {  	[sflag:s25] =	ssyncset.done $0x0  }
0x39: {  	[sflag:s25] =	ssyncadd.s32 $0xFFFFC000  }
0x3a: {  	[spmem:s1] =	stream.indirect.scatter.add.f32 [tilespmem:s24], [sflag:$0x2], $0x80, s22, s23, $0xb8;
	[tilespmem:$0x18100] =	vst v63  }
0x3b: {  	_ =	swait.ge [sflag:s20], $0x4000  }
0x3c: {  	s6 =	simm.s32 $0x20;
	s3 =	simm.s32 $0x10;
	[sflag:s20] =	ssyncset.done $0x0  }
.LBB2_2:
0x3d: {  	s8 =	sadd.s32 s3, s19  }
0x3e: {  	[sflag:s20] =	ssyncadd.s32 $0xFFFFC000;
	s9 =	smov.u32 s6;
	s10 =	sadd.s32 $0x10, s6  }
0x3f: {  	[tilespmem:s21], [sflag:$0x2] =	stream.linear.gather [hbm4b:s8+s2], $0x80, $0x38;
	[tilespmem:$0x18100] =	vst v63  }
0x40: {  	p0 =	sne.s32 s6, $0x4E0;
	_ =	swait.ge [sflag:s20], $0x80  }
0x41: {  	[sflag:s20] =	ssyncset.done $0x0  }
0x42: {  	s6 =	sadd.s32 s3, s18;
	s3 =	smov.u32 s9;
	[sflag:s20] =	ssyncadd.s32 $0xFFFFFF80  }
0x43: {  	[tilespmem:s22], [sflag:$0x2] =	stream.linear.gather [hbm4b:s6+s2], $0x80, $0x38;
	[tilespmem:$0x18100] =	vst v63  }
0x44: {  	_ =	swait.ge [sflag:s20], $0x80  }
0x45: {  	[sflag:s20] =	ssyncset.done $0x0  }
0x46: {  	[sflag:s20] =	ssyncadd.s32 $0xFFFFFF80  }
0x47: {  	[tilespmem:s24], [sflag:$0x1] =	stream.indirect.gather [hbm4b:s4+s23], $0x80, s21, s23, $0xb8;
	[tilespmem:$0x18100] =	vst v63  }
0x48: {  	_ =	swait.ge [sflag:s25], $0x4000  }
.Ltmp0:
0x49: {  	[sflag:s25] =	ssyncset.done $0x0;
	(pc) =	sbr.rel @p0 .LBB2_2-.Ltmp0, $4  }
0x4a: {  	[sflag:s25] =	ssyncadd.s32 $0xFFFFC000  }
0x4b: {  	[spmem:s1] =	stream.indirect.scatter.add.f32 [tilespmem:s24], [sflag:$0x2], $0x80, s22, s23, $0xb8;
	[tilespmem:$0x18100] =	vst v63  }
0x4c: {  	_ =	swait.ge [sflag:s20], $0x4000  }
0x4d: {  	s6 =	smov.u32 s10;
	[sflag:s20] =	ssyncset.done $0x0  }
0x4e: {  	s6 =	sadd.s32 s3, s19;
	[sflag:s20] =	ssyncadd.s32 $0xFFFFC000  }
0x4f: {  	[tilespmem:s21], [sflag:$0x2] =	stream.linear.gather [hbm4b:s6+s2], $0x80, $0x38;
	[tilespmem:$0x18100] =	vst v63  }
0x50: {  	_ =	swait.ge [sflag:s20], $0x80  }
0x51: {  	[sflag:s20] =	ssyncset.done $0x0  }
0x52: {  	s10 =	sadd.s32 s3, s18;
	[sflag:s20] =	ssyncadd.s32 $0xFFFFFF80  }
0x53: {  	[tilespmem:s22], [sflag:$0x2] =	stream.linear.gather [hbm4b:s10+s2], $0x80, $0x38;
	[tilespmem:$0x18100] =	vst v63  }
0x54: {  	_ =	swait.ge [sflag:s20], $0x80  }
0x55: {  	[sflag:s20] =	ssyncset.done $0x0  }
0x56: {  	[sflag:s20] =	ssyncadd.s32 $0xFFFFFF80  }
0x57: {  	[tilespmem:s24], [sflag:$0x1] =	stream.indirect.gather [hbm4b:s4+s23], $0x80, s21, s23, $0xb8;
	[tilespmem:$0x18100] =	vst v63  }
0x58: {  	_ =	swait.ge [sflag:s25], $0x4000  }
0x59: {  	[sflag:s25] =	ssyncset.done $0x0  }
0x5a: {  	[sflag:s25] =	ssyncadd.s32 $0xFFFFC000  }
0x5b: {  	[spmem:s1] =	stream.indirect.scatter.add.f32 [tilespmem:s24], [sflag:$0x2], $0x80, s22, s23, $0xb8;
	[tilespmem:$0x18100] =	vst v63  }
0x5c: {  	_ =	swait.ge [sflag:s20], $0x4000  }
0x5d: {  	[sflag:s20] =	ssyncset.done $0x0  }
0x5e: {  	[sflag:s20] =	ssyncadd.s32 $0xFFFFC000  }
0x5f: {  	[bflag:$0x0] =	sbarrier.arrive $0xFFFF  }
0x60: {  	[hbm:s12], [sflag:s7] =	dma.local [spmem:s28], $0x800  }
0x61: {  	_ =	swait.ge [sflag:s20], $0x800  }
0x62: {  	[sflag:s20] =	ssyncset.done $0x0  }
0x63: {  	[sflag:s20] =	ssyncadd.s32 $0xFFFFF800  }
0x64: {  	[hbm:s13], [sflag:s7] =	dma.local [spmem:s29], $0x800  }
0x65: {  	_ =	swait.ge [sflag:s20], $0x800  }
0x66: {  	[sflag:s20] =	ssyncset.done $0x0  }
0x67: {  	[sflag:s20] =	ssyncadd.s32 $0xFFFFF800  }
0x68: {  	[hbm:s14], [sflag:s7] =	dma.local [spmem:s30], $0x800  }
0x69: {  	_ =	swait.ge [sflag:s20], $0x800  }
0x6a: {  	[sflag:s20] =	ssyncset.done $0x0  }
0x6b: {  	[sflag:s20] =	ssyncadd.s32 $0xFFFFF800  }
0x6c: {  	[hbm:s15], [sflag:s7] =	dma.local [spmem:s31], $0x800  }
0x6d: {  	s26 =	sadd.s32 $0x1, s26;
	_ =	swait.ge [sflag:s20], $0x800  }
0x6e: {  	p0 =	sne.s32 s26, s17;
	[sflag:s20] =	ssyncset.done $0x0  }
.Ltmp1:
0x6f: {  	[sflag:s20] =	ssyncadd.s32 $0xFFFFF800;
	(pc) =	sbr.rel @p0 .LBB2_1-.Ltmp1, $4  }
0x70: {  	[hbm:s16], [sflag:s7] =	dma.local [spmem:s0], $0x800  }
0x71: {  	_ =	swait.ge [sflag:s20], $0x800  }
0x72: {  	[sflag:s20] =	ssyncset.done $0x0  }
0x73: {  	[sflag:s20] =	ssyncadd.s32 $0xFFFFF800  }
0x74: {  	_ =	sfence.sel $0x180000  }
0x75: {  	[bflag:$0x0] =	sbarrier.arrive $0xFFFF  }
0x76: {  	_ =	strace $0x9000004D  }
0x77: {  	s0 =	stileid.u32;
	[bflag:$0x2] =	sbarrier.arrive $0xFFFF  }
0x78: {  	p0 =	sne.s32 s0, $0x0;
	s0 =	rddreg [dreg:$0x2]  }
0x79: {  	s0 =	sadd.s32 @!p0 $0x100000, s0  }
0x7a: {  	[sflag:s0] =	ssyncadd.tile.s32 @!p0 $0x1;
	_ =	shalt  }
.Lfunc_end2:
_tile_overlayer_lowered:
.L_overlay_start_2:
0x7b: {  	(tag) =	ssettag $0x2  }
0x7c: {  	s0 =	rddreg [dreg:$0x0];
	s2 =	stileid.u32  }
0x7d: {  	s1 =	rddreg [dreg:$0x1];
	p0 =	sne.s32 s2, $0x0  }
0x7e: {  	s3 =	rddreg [dreg:$0x2];
	[bflag:$0x3] =	sbarrier.arrive $0xFFFF;
	s2 =	simm.s32 @!p0 $0x1C02  }
0x7f: {  	[timem:s3], [sflag:s2] =	dma.local @!p0 [hbm:s0], s1  }
0x80: {  	s0 =	simm.s32 @!p0 $0x2  }
0x81: {  	_ =	swait.ge @!p0 [sflag:s0], s1  }
0x82: {  	s1 =	ssub.s32 @!p0 $0x0, s1;
	[sflag:s0] =	ssyncset.done @!p0 $0x0  }
0x83: {  	[sflag:s0] =	ssyncadd.s32 @!p0 s1  }
0x84: {  	[bflag:$0x3] =	sbarrier.arrive $0xFFFF  }
0x85: {  	_ =	shalt  }

</sc_bundles>
